<compile_context>
chip_gen: v7x
topology: tpu7x:2x2x1
jax: 0.10.2.dev20260603
libtpu: 0.0.44.dev20260713+nightly
codegen_flags: <defaults>
</compile_context>

<pallas_src>
import jax
import jax.numpy as jnp
from jax.experimental import pallas as pl
from jax.experimental.pallas import tpu as pltpu

B = 256
H = 512
E = 256
DEPTH = 6
NPD = 64
MAXP = 8
NUM_NODES = 1 + DEPTH * NPD
NPAD = 392
BB = 16
BCHUNK = 64


def _dag_kernel(emb_ref, nemb_ref, w1a_ref, w1b_ref, b1_ref, w2_ref,
                b2_ref, pidx_ref, out_ref, nv_ref):
    emb = emb_ref[...]
    out_ref[:, 0:1, :] = emb[:, None, :]
    out_ref[:, NUM_NODES:NPAD, :] = jnp.zeros(
        (BB, NPAD - NUM_NODES, H), jnp.float32)
    nv_ref[:, 0:8, :] = jnp.broadcast_to(
        emb.astype(jnp.bfloat16)[:, None, :], (BB, 8, H))

    nc_all = (jnp.dot(nemb_ref[...], w1b_ref[...],
                      preferred_element_type=jnp.float32)
              + b1_ref[...])

    pidx = pidx_ref[...]
    w1a = w1a_ref[...]
    w2 = w2_ref[...]
    b2 = b2_ref[...]

    for d in range(DEPTH):
        k = 8 + 64 * d
        pd = pidx[:, d * MAXP:(d + 1) * MAXP] + 7
        iota = jax.lax.broadcasted_iota(jnp.int32, (NPD, k), 1)
        a = jnp.zeros((NPD, k), dtype=jnp.bfloat16)
        for p in range(MAXP):
            a += (iota == pd[:, p:p + 1]).astype(jnp.bfloat16)
        a_b = jnp.broadcast_to(a[None], (BB, NPD, k))
        ps = jax.lax.dot_general(
            a_b, nv_ref[:, 0:k, :],
            dimension_numbers=(((2,), (1,)), ((0,), (0,))),
            preferred_element_type=jnp.float32)
        x = ps.reshape(BB * NPD, H).astype(jnp.bfloat16)
        ncb = jnp.broadcast_to(
            nc_all[64 * d:64 * d + 64][None, :, :],
            (BB, NPD, H)).reshape(BB * NPD, H)
        h1 = jnp.maximum(
            jnp.dot(x, w1a, preferred_element_type=jnp.float32) + ncb,
            0.0).astype(jnp.bfloat16)
        o = (jnp.dot(h1, w2, preferred_element_type=jnp.float32)
             + b2).reshape(BB, NPD, H)
        nv_ref[:, k:k + 64, :] = o.astype(jnp.bfloat16)
        out_ref[:, 1 + 64 * d:65 + 64 * d, :] = o


def kernel(embedding, node_emb_table, W1, b1, W2, b2, node_indices,
           parent_indices):
    del node_indices
    nemb = node_emb_table[1:NUM_NODES]
    w1a = W1[:H]
    w1b = W1[H:H + E]
    pidx = jnp.transpose(parent_indices.astype(jnp.int32),
                         (1, 0, 2)).reshape(NPD, DEPTH * MAXP)

    call = pl.pallas_call(
        _dag_kernel,
        grid=(BCHUNK // BB,),
        in_specs=[
            pl.BlockSpec((BB, H), lambda i: (i, 0)),
            pl.BlockSpec((NUM_NODES - 1, E), lambda i: (0, 0)),
            pl.BlockSpec((H, H), lambda i: (0, 0)),
            pl.BlockSpec((E, H), lambda i: (0, 0)),
            pl.BlockSpec((1, H), lambda i: (0, 0)),
            pl.BlockSpec((H, H), lambda i: (0, 0)),
            pl.BlockSpec((1, H), lambda i: (0, 0)),
            pl.BlockSpec((NPD, DEPTH * MAXP), lambda i: (0, 0)),
        ],
        out_specs=pl.BlockSpec((BB, NPAD, H), lambda i: (i, 0, 0)),
        out_shape=jax.ShapeDtypeStruct((BCHUNK, NPAD, H), jnp.float32),
        scratch_shapes=[pltpu.VMEM((BB, 8 + DEPTH * 64, H), jnp.bfloat16)],
        compiler_params=pltpu.CompilerParams(
            dimension_semantics=("parallel",)),
    )
    consts = (nemb.astype(jnp.bfloat16), w1a.astype(jnp.bfloat16),
              w1b.astype(jnp.bfloat16), b1.reshape(1, H),
              W2.astype(jnp.bfloat16), b2.reshape(1, H), pidx)
    parts = []
    for k in range(B // BCHUNK):
        o = call(embedding[k * BCHUNK:(k + 1) * BCHUNK], *consts)
        parts.append(o[:, :NUM_NODES, :])
    return jnp.concatenate(parts, axis=0)

# --- scband reference (transcript-rebuilt; emitter-appended) ---
"""Pipeline reference for scband-dagmodel-10385230922547 (READ-ONLY COPY).

The authoritative reference and input builder live on the scoring server;
editing this copy changes nothing except your own understanding.
"""

import jax, jax.numpy as jnp
import numpy as np

B = 256
H = 512
E = 256
DEPTH = 6
NPD = 64
MAXP = 8
NUM_NODES = 1 + DEPTH * NPD


def setup_inputs(seed: int = 0) -> dict:
    key = jax.random.key(seed)
    ks = jax.random.split(key, 4)
    embedding = jax.random.normal(ks[0], (B, H), dtype=jnp.float32)
    node_emb_table = jax.random.normal(ks[1], (NUM_NODES, E), dtype=jnp.float32) * 0.02
    node_emb_table = node_emb_table.at[0].set(0.0)  # padding_idx=0
    W1 = jax.random.normal(ks[2], (H + E, H), dtype=jnp.float32) * (1.0 / np.sqrt(H + E))
    b1 = jnp.zeros((H,), dtype=jnp.float32)
    W2 = jax.random.normal(ks[3], (H, H), dtype=jnp.float32) * (1.0 / np.sqrt(H))
    b2 = jnp.zeros((H,), dtype=jnp.float32)
    # DAG structure: nodes at depth d (1..DEPTH) occupy embedding indices
    # 1 + (d-1)*NPD .. 1 + d*NPD - 1, matching their positions in node_vecs.
    node_indices = jnp.arange(1, NUM_NODES, dtype=jnp.int32).reshape(DEPTH, NPD)
    rng = np.random.default_rng(0)
    pi = np.zeros((DEPTH, NPD, MAXP), dtype=np.int64)
    for d in range(DEPTH):
        hi = 1 + d * NPD  # parents must already be in node_vecs (earlier depths)
        pi[d] = rng.integers(0, hi, size=(NPD, MAXP))
    parent_indices = jnp.asarray(pi)
    return {
        "embedding": embedding,
        "node_emb_table": node_emb_table,
        "W1": W1,
        "b1": b1,
        "W2": W2,
        "b2": b2,
        "node_indices": node_indices,
        "parent_indices": parent_indices,
    }


def reference(embedding, node_emb_table, W1, b1, W2, b2, node_indices, parent_indices):
    # node_vecs accumulates per-node hidden vectors; position 0 is the root (input embedding)
    node_vecs = embedding[:, None, :]  # [B, 1, H]
    for d in range(DEPTH):
        idx = node_indices[d]  # [NPD] embedding-table indices for this depth
        nemb = jnp.take(node_emb_table, idx, axis=0)  # [NPD, E]
        pidx = parent_indices[d].reshape(-1)  # [NPD*MAXP]
        # gather parent vectors from all previously computed node vecs
        pv = jnp.take(node_vecs, pidx, axis=1)  # [B, NPD*MAXP, H]
        pv = pv.reshape(B, NPD, MAXP, H)
        parent_sum = pv.sum(axis=2)  # [B, NPD, H]
        nemb_b = jnp.broadcast_to(nemb[None, :, :], (B, NPD, E))
        vecs = jnp.concatenate([parent_sum, nemb_b], axis=-1)  # [B, NPD, H+E]
        vecs = jax.nn.relu(vecs @ W1 + b1)  # layer1 + ReLU
        vecs = vecs @ W2 + b2  # layer2
        node_vecs = jnp.concatenate([node_vecs, vecs], axis=1)
    return node_vecs  # [B, 1 + DEPTH*NPD, H]

if __name__ == "__main__":
    import jax
    _d = setup_inputs()
    print(jax.jit(kernel)(*tuple(_d.values())))

</pallas_src>

<mosaic_0001>
module attributes {stable_mosaic.version = 14 : i64} {
  func.func @_dag_kernel(%arg0: i32, %arg1: memref<16x512xf32, #tpu.memory_space<vmem>>, %arg2: memref<384x256xbf16, #tpu.memory_space<vmem>>, %arg3: memref<512x512xbf16, #tpu.memory_space<vmem>>, %arg4: memref<256x512xbf16, #tpu.memory_space<vmem>>, %arg5: memref<1x512xf32, #tpu.memory_space<vmem>>, %arg6: memref<512x512xbf16, #tpu.memory_space<vmem>>, %arg7: memref<1x512xf32, #tpu.memory_space<vmem>>, %arg8: memref<64x48xi32, #tpu.memory_space<vmem>>, %arg9: memref<16x392x512xf32, #tpu.memory_space<vmem>>, %arg10: memref<16x392x512xbf16, #tpu.memory_space<vmem>>) attributes {dimension_semantics = [#tpu.dimension_semantics<parallel>], iteration_bounds = array<i64: 4>, scalar_prefetch = 0 : i64, scratch_operands = 1 : i64, tpu.core_type = #tpu.core_type<tc>, window_params = [{transform_indices = @transform_0, window_bounds = array<i64: 16, 512>}, {pipeline_mode = #tpu.pipeline_mode<synchronous>, transform_indices = @transform_1, window_bounds = array<i64: 384, 256>}, {pipeline_mode = #tpu.pipeline_mode<synchronous>, transform_indices = @transform_2, window_bounds = array<i64: 512, 512>}, {pipeline_mode = #tpu.pipeline_mode<synchronous>, transform_indices = @transform_3, window_bounds = array<i64: 256, 512>}, {pipeline_mode = #tpu.pipeline_mode<synchronous>, transform_indices = @transform_4, window_bounds = array<i64: 1, 512>}, {pipeline_mode = #tpu.pipeline_mode<synchronous>, transform_indices = @transform_5, window_bounds = array<i64: 512, 512>}, {pipeline_mode = #tpu.pipeline_mode<synchronous>, transform_indices = @transform_6, window_bounds = array<i64: 1, 512>}, {pipeline_mode = #tpu.pipeline_mode<synchronous>, transform_indices = @transform_7, window_bounds = array<i64: 64, 48>}, {transform_indices = @transform_8, window_bounds = array<i64: 16, 392, 512>}]} {
    %get3A = arith.constant 0 : index
    %get3A_0 = arith.constant 0 : index
    %get3A_1 = vector.load %arg1[%get3A, %get3A_0] : memref<16x512xf32, #tpu.memory_space<vmem>>, vector<16x512xf32>
    %broadcast_in_dim3A = vector.shape_cast %get3A_1 : vector<16x512xf32> to vector<16x1x512xf32>
    %swap3A = arith.constant 0 : index
    %swap3A_2 = arith.constant 0 : index
    %swap3A_3 = arith.constant 0 : index
    %swap3A_4 = vector.load %arg9[%swap3A, %swap3A_2, %swap3A_3] : memref<16x392x512xf32, #tpu.memory_space<vmem>>, vector<16x1x512xf32>
    tpu.vector_store %arg9[%swap3A, %swap3A_2, %swap3A_3], %broadcast_in_dim3A {strides = array<i32>} : memref<16x392x512xf32, #tpu.memory_space<vmem>>, vector<16x1x512xf32>,
    %broadcast_in_dim3A_5 = arith.constant 0.000000e+00 : f32
    %broadcast_in_dim3A_6 = vector.broadcast %broadcast_in_dim3A_5 : f32 to vector<16x7x512xf32>
    %swap3A_7 = arith.constant 0 : index
    %swap3A_8 = arith.constant 385 : index
    %swap3A_9 = arith.constant 0 : index
    %swap3A_10 = vector.load %arg9[%swap3A_7, %swap3A_8, %swap3A_9] : memref<16x392x512xf32, #tpu.memory_space<vmem>>, vector<16x7x512xf32>
    tpu.vector_store %arg9[%swap3A_7, %swap3A_8, %swap3A_9], %broadcast_in_dim3A_6 {strides = array<i32>} : memref<16x392x512xf32, #tpu.memory_space<vmem>>, vector<16x7x512xf32>,
    %convert_element_type3A = arith.truncf %get3A_1 : vector<16x512xf32> to vector<16x512xbf16>
    %broadcast_in_dim3A_11 = vector.shape_cast %convert_element_type3A : vector<16x512xbf16> to vector<16x1x512xbf16>
    %broadcast_in_dim3A_12 = vector.shape_cast %broadcast_in_dim3A_11 : vector<16x1x512xbf16> to vector<16x1x512xbf16>
    %broadcast_in_dim3A_13 = vector.broadcast %broadcast_in_dim3A_12 : vector<16x1x512xbf16> to vector<16x8x512xbf16>
    %swap3A_14 = arith.constant 0 : index
    %swap3A_15 = arith.constant 0 : index
    %swap3A_16 = arith.constant 0 : index
    %swap3A_17 = vector.load %arg10[%swap3A_14, %swap3A_15, %swap3A_16] : memref<16x392x512xbf16, #tpu.memory_space<vmem>>, vector<16x8x512xbf16>
    tpu.vector_store %arg10[%swap3A_14, %swap3A_15, %swap3A_16], %broadcast_in_dim3A_13 {strides = array<i32>} : memref<16x392x512xbf16, #tpu.memory_space<vmem>>, vector<16x8x512xbf16>,
    %get3A_18 = arith.constant 0 : index
    %get3A_19 = arith.constant 0 : index
    %get3A_20 = vector.load %arg2[%get3A_18, %get3A_19] : memref<384x256xbf16, #tpu.memory_space<vmem>>, vector<384x256xbf16>
    %get3A_21 = arith.constant 0 : index
    %get3A_22 = arith.constant 0 : index
    %get3A_23 = vector.load %arg4[%get3A_21, %get3A_22] : memref<256x512xbf16, #tpu.memory_space<vmem>>, vector<256x512xbf16>
    %dot_general3A = arith.constant dense<0.000000e+00> : vector<384x512xf32>
    %dot_general3A_24 = tpu.matmul %get3A_20, %get3A_23, %dot_general3A {dimension_numbers = #tpu.dot_dimension_numbers<[1], [0], [0], [1], [0, 0, 1, 1], [], []>, transpose_lhs_hint = false} : vector<384x256xbf16>, vector<256x512xbf16>, vector<384x512xf32> -> vector<384x512xf32>
    %get3A_25 = arith.constant 0 : index
    %get3A_26 = arith.constant 0 : index
    %get3A_27 = vector.load %arg5[%get3A_25, %get3A_26] : memref<1x512xf32, #tpu.memory_space<vmem>>, vector<1x512xf32>
    %add3A = vector.broadcast %get3A_27 : vector<1x512xf32> to vector<384x512xf32>
    %add3A_28 = arith.addf %dot_general3A_24, %add3A : vector<384x512xf32>
    %get3A_29 = arith.constant 0 : index
    %get3A_30 = arith.constant 0 : index
    %get3A_31 = vector.load %arg8[%get3A_29, %get3A_30] : memref<64x48xi32, #tpu.memory_space<vmem>>, vector<64x48xi32>
    %get3A_32 = arith.constant 0 : index
    %get3A_33 = arith.constant 0 : index
    %get3A_34 = vector.load %arg3[%get3A_32, %get3A_33] : memref<512x512xbf16, #tpu.memory_space<vmem>>, vector<512x512xbf16>
    %get3A_35 = arith.constant 0 : index
    %get3A_36 = arith.constant 0 : index
    %get3A_37 = vector.load %arg6[%get3A_35, %get3A_36] : memref<512x512xbf16, #tpu.memory_space<vmem>>, vector<512x512xbf16>
    %get3A_38 = arith.constant 0 : index
    %get3A_39 = arith.constant 0 : index
    %get3A_40 = vector.load %arg7[%get3A_38, %get3A_39] : memref<1x512xf32, #tpu.memory_space<vmem>>, vector<1x512xf32>
    %slice3A = vector.extract_strided_slice %get3A_31 {offsets = [0, 0], sizes = [64, 8], strides = [1, 1]} : vector<64x48xi32> to vector<64x8xi32>
    %add3A_41 = arith.constant 7 : i32
    %add3A_42 = vector.broadcast %add3A_41 : i32 to vector<64x8xi32>
    %add3A_43 = arith.addi %slice3A, %add3A_42 : vector<64x8xi32>
    %iota3A = tpu.iota {dimensions = array<i32: 1>} : vector<64x8xi32>
    %broadcast_in_dim3A_44 = arith.constant 0.000000e+00 : bf16
    %broadcast_in_dim3A_45 = vector.broadcast %broadcast_in_dim3A_44 : bf16 to vector<64x8xbf16>
    %slice3A_46 = vector.extract_strided_slice %add3A_43 {offsets = [0, 0], sizes = [64, 1], strides = [1, 1]} : vector<64x8xi32> to vector<64x1xi32>
    %eq3A = vector.broadcast %slice3A_46 : vector<64x1xi32> to vector<64x8xi32>
    %eq3A_47 = arith.cmpi eq, %iota3A, %eq3A : vector<64x8xi32>
    %convert_element_type3A_48 = arith.extui %eq3A_47 : vector<64x8xi1> to vector<64x8xi32>
    %convert_element_type3A_49 = arith.sitofp %convert_element_type3A_48 : vector<64x8xi32> to vector<64x8xf32>
    %convert_element_type3A_50 = arith.truncf %convert_element_type3A_49 : vector<64x8xf32> to vector<64x8xbf16>
    %add3A_51 = arith.addf %broadcast_in_dim3A_45, %convert_element_type3A_50 : vector<64x8xbf16>
    %slice3A_52 = vector.extract_strided_slice %add3A_43 {offsets = [0, 1], sizes = [64, 1], strides = [1, 1]} : vector<64x8xi32> to vector<64x1xi32>
    %eq3A_53 = vector.broadcast %slice3A_52 : vector<64x1xi32> to vector<64x8xi32>
    %eq3A_54 = arith.cmpi eq, %iota3A, %eq3A_53 : vector<64x8xi32>
    %convert_element_type3A_55 = arith.extui %eq3A_54 : vector<64x8xi1> to vector<64x8xi32>
    %convert_element_type3A_56 = arith.sitofp %convert_element_type3A_55 : vector<64x8xi32> to vector<64x8xf32>
    %convert_element_type3A_57 = arith.truncf %convert_element_type3A_56 : vector<64x8xf32> to vector<64x8xbf16>
    %add3A_58 = arith.addf %add3A_51, %convert_element_type3A_57 : vector<64x8xbf16>
    %slice3A_59 = vector.extract_strided_slice %add3A_43 {offsets = [0, 2], sizes = [64, 1], strides = [1, 1]} : vector<64x8xi32> to vector<64x1xi32>
    %eq3A_60 = vector.broadcast %slice3A_59 : vector<64x1xi32> to vector<64x8xi32>
    %eq3A_61 = arith.cmpi eq, %iota3A, %eq3A_60 : vector<64x8xi32>
    %convert_element_type3A_62 = arith.extui %eq3A_61 : vector<64x8xi1> to vector<64x8xi32>
    %convert_element_type3A_63 = arith.sitofp %convert_element_type3A_62 : vector<64x8xi32> to vector<64x8xf32>
    %convert_element_type3A_64 = arith.truncf %convert_element_type3A_63 : vector<64x8xf32> to vector<64x8xbf16>
    %add3A_65 = arith.addf %add3A_58, %convert_element_type3A_64 : vector<64x8xbf16>
    %slice3A_66 = vector.extract_strided_slice %add3A_43 {offsets = [0, 3], sizes = [64, 1], strides = [1, 1]} : vector<64x8xi32> to vector<64x1xi32>
    %eq3A_67 = vector.broadcast %slice3A_66 : vector<64x1xi32> to vector<64x8xi32>
    %eq3A_68 = arith.cmpi eq, %iota3A, %eq3A_67 : vector<64x8xi32>
    %convert_element_type3A_69 = arith.extui %eq3A_68 : vector<64x8xi1> to vector<64x8xi32>
    %convert_element_type3A_70 = arith.sitofp %convert_element_type3A_69 : vector<64x8xi32> to vector<64x8xf32>
    %convert_element_type3A_71 = arith.truncf %convert_element_type3A_70 : vector<64x8xf32> to vector<64x8xbf16>
    %add3A_72 = arith.addf %add3A_65, %convert_element_type3A_71 : vector<64x8xbf16>
    %slice3A_73 = vector.extract_strided_slice %add3A_43 {offsets = [0, 4], sizes = [64, 1], strides = [1, 1]} : vector<64x8xi32> to vector<64x1xi32>
    %eq3A_74 = vector.broadcast %slice3A_73 : vector<64x1xi32> to vector<64x8xi32>
    %eq3A_75 = arith.cmpi eq, %iota3A, %eq3A_74 : vector<64x8xi32>
    %convert_element_type3A_76 = arith.extui %eq3A_75 : vector<64x8xi1> to vector<64x8xi32>
    %convert_element_type3A_77 = arith.sitofp %convert_element_type3A_76 : vector<64x8xi32> to vector<64x8xf32>
    %convert_element_type3A_78 = arith.truncf %convert_element_type3A_77 : vector<64x8xf32> to vector<64x8xbf16>
    %add3A_79 = arith.addf %add3A_72, %convert_element_type3A_78 : vector<64x8xbf16>
    %slice3A_80 = vector.extract_strided_slice %add3A_43 {offsets = [0, 5], sizes = [64, 1], strides = [1, 1]} : vector<64x8xi32> to vector<64x1xi32>
    %eq3A_81 = vector.broadcast %slice3A_80 : vector<64x1xi32> to vector<64x8xi32>
    %eq3A_82 = arith.cmpi eq, %iota3A, %eq3A_81 : vector<64x8xi32>
    %convert_element_type3A_83 = arith.extui %eq3A_82 : vector<64x8xi1> to vector<64x8xi32>
    %convert_element_type3A_84 = arith.sitofp %convert_element_type3A_83 : vector<64x8xi32> to vector<64x8xf32>
    %convert_element_type3A_85 = arith.truncf %convert_element_type3A_84 : vector<64x8xf32> to vector<64x8xbf16>
    %add3A_86 = arith.addf %add3A_79, %convert_element_type3A_85 : vector<64x8xbf16>
    %slice3A_87 = vector.extract_strided_slice %add3A_43 {offsets = [0, 6], sizes = [64, 1], strides = [1, 1]} : vector<64x8xi32> to vector<64x1xi32>
    %eq3A_88 = vector.broadcast %slice3A_87 : vector<64x1xi32> to vector<64x8xi32>
    %eq3A_89 = arith.cmpi eq, %iota3A, %eq3A_88 : vector<64x8xi32>
    %convert_element_type3A_90 = arith.extui %eq3A_89 : vector<64x8xi1> to vector<64x8xi32>
    %convert_element_type3A_91 = arith.sitofp %convert_element_type3A_90 : vector<64x8xi32> to vector<64x8xf32>
    %convert_element_type3A_92 = arith.truncf %convert_element_type3A_91 : vector<64x8xf32> to vector<64x8xbf16>
    %add3A_93 = arith.addf %add3A_86, %convert_element_type3A_92 : vector<64x8xbf16>
    %slice3A_94 = vector.extract_strided_slice %add3A_43 {offsets = [0, 7], sizes = [64, 1], strides = [1, 1]} : vector<64x8xi32> to vector<64x1xi32>
    %eq3A_95 = vector.broadcast %slice3A_94 : vector<64x1xi32> to vector<64x8xi32>
    %eq3A_96 = arith.cmpi eq, %iota3A, %eq3A_95 : vector<64x8xi32>
    %convert_element_type3A_97 = arith.extui %eq3A_96 : vector<64x8xi1> to vector<64x8xi32>
    %convert_element_type3A_98 = arith.sitofp %convert_element_type3A_97 : vector<64x8xi32> to vector<64x8xf32>
    %convert_element_type3A_99 = arith.truncf %convert_element_type3A_98 : vector<64x8xf32> to vector<64x8xbf16>
    %add3A_100 = arith.addf %add3A_93, %convert_element_type3A_99 : vector<64x8xbf16>
    %broadcast_in_dim3A_101 = vector.shape_cast %add3A_100 : vector<64x8xbf16> to vector<1x64x8xbf16>
    %broadcast_in_dim3A_102 = vector.shape_cast %broadcast_in_dim3A_101 : vector<1x64x8xbf16> to vector<1x64x8xbf16>
    %broadcast_in_dim3A_103 = vector.broadcast %broadcast_in_dim3A_102 : vector<1x64x8xbf16> to vector<16x64x8xbf16>
    %get3A_104 = arith.constant 0 : index
    %get3A_105 = arith.constant 0 : index
    %get3A_106 = arith.constant 0 : index
    %get3A_107 = vector.load %arg10[%get3A_104, %get3A_105, %get3A_106] : memref<16x392x512xbf16, #tpu.memory_space<vmem>>, vector<16x8x512xbf16>
    %dot_general3A_108 = arith.constant dense<0.000000e+00> : vector<16x64x512xf32>
    %dot_general3A_109 = tpu.matmul %broadcast_in_dim3A_103, %get3A_107, %dot_general3A_108 {dimension_numbers = #tpu.dot_dimension_numbers<[2], [1], [1], [2], [0, 0, 0, 1, 1, 2], [0], [0]>, transpose_lhs_hint = false} : vector<16x64x8xbf16>, vector<16x8x512xbf16>, vector<16x64x512xf32> -> vector<16x64x512xf32>
    %reshape3A = vector.shape_cast %dot_general3A_109 : vector<16x64x512xf32> to vector<1024x512xf32>
    %convert_element_type3A_110 = arith.truncf %reshape3A : vector<1024x512xf32> to vector<1024x512xbf16>
    %slice3A_111 = vector.extract_strided_slice %add3A_28 {offsets = [0, 0], sizes = [64, 512], strides = [1, 1]} : vector<384x512xf32> to vector<64x512xf32>
    %broadcast_in_dim3A_112 = vector.shape_cast %slice3A_111 : vector<64x512xf32> to vector<1x64x512xf32>
    %broadcast_in_dim3A_113 = vector.shape_cast %broadcast_in_dim3A_112 : vector<1x64x512xf32> to vector<1x64x512xf32>
    %broadcast_in_dim3A_114 = vector.broadcast %broadcast_in_dim3A_113 : vector<1x64x512xf32> to vector<16x64x512xf32>
    %reshape3A_115 = vector.shape_cast %broadcast_in_dim3A_114 : vector<16x64x512xf32> to vector<1024x512xf32>
    %dot_general3A_116 = arith.constant dense<0.000000e+00> : vector<1024x512xf32>
    %dot_general3A_117 = tpu.matmul %convert_element_type3A_110, %get3A_34, %dot_general3A_116 {dimension_numbers = #tpu.dot_dimension_numbers<[1], [0], [0], [1], [0, 0, 1, 1], [], []>, transpose_lhs_hint = false} : vector<1024x512xbf16>, vector<512x512xbf16>, vector<1024x512xf32> -> vector<1024x512xf32>
    %add3A_118 = arith.addf %dot_general3A_117, %reshape3A_115 : vector<1024x512xf32>
    %max3A = arith.constant 0.000000e+00 : f32
    %max3A_119 = vector.broadcast %max3A : f32 to vector<1024x512xf32>
    %max3A_120 = arith.maximumf %add3A_118, %max3A_119 : vector<1024x512xf32>
    %convert_element_type3A_121 = arith.truncf %max3A_120 : vector<1024x512xf32> to vector<1024x512xbf16>
    %dot_general3A_122 = arith.constant dense<0.000000e+00> : vector<1024x512xf32>
    %dot_general3A_123 = tpu.matmul %convert_element_type3A_121, %get3A_37, %dot_general3A_122 {dimension_numbers = #tpu.dot_dimension_numbers<[1], [0], [0], [1], [0, 0, 1, 1], [], []>, transpose_lhs_hint = false} : vector<1024x512xbf16>, vector<512x512xbf16>, vector<1024x512xf32> -> vector<1024x512xf32>
    %add3A_124 = vector.broadcast %get3A_40 : vector<1x512xf32> to vector<1024x512xf32>
    %add3A_125 = arith.addf %dot_general3A_123, %add3A_124 : vector<1024x512xf32>
    %reshape3A_126 = vector.shape_cast %add3A_125 : vector<1024x512xf32> to vector<16x64x512xf32>
    %convert_element_type3A_127 = arith.truncf %reshape3A_126 : vector<16x64x512xf32> to vector<16x64x512xbf16>
    %swap3A_128 = arith.constant 0 : index
    %swap3A_129 = arith.constant 8 : index
    %swap3A_130 = arith.constant 0 : index
    %swap3A_131 = vector.load %arg10[%swap3A_128, %swap3A_129, %swap3A_130] : memref<16x392x512xbf16, #tpu.memory_space<vmem>>, vector<16x64x512xbf16>
    tpu.vector_store %arg10[%swap3A_128, %swap3A_129, %swap3A_130], %convert_element_type3A_127 {strides = array<i32>} : memref<16x392x512xbf16, #tpu.memory_space<vmem>>, vector<16x64x512xbf16>,
    %swap3A_132 = arith.constant 0 : index
    %swap3A_133 = arith.constant 1 : index
    %swap3A_134 = arith.constant 0 : index
    %swap3A_135 = vector.load %arg9[%swap3A_132, %swap3A_133, %swap3A_134] : memref<16x392x512xf32, #tpu.memory_space<vmem>>, vector<16x64x512xf32>
    tpu.vector_store %arg9[%swap3A_132, %swap3A_133, %swap3A_134], %reshape3A_126 {strides = array<i32>} : memref<16x392x512xf32, #tpu.memory_space<vmem>>, vector<16x64x512xf32>,
    %slice3A_136 = vector.extract_strided_slice %get3A_31 {offsets = [0, 8], sizes = [64, 8], strides = [1, 1]} : vector<64x48xi32> to vector<64x8xi32>
    %add3A_137 = arith.constant 7 : i32
    %add3A_138 = vector.broadcast %add3A_137 : i32 to vector<64x8xi32>
    %add3A_139 = arith.addi %slice3A_136, %add3A_138 : vector<64x8xi32>
    %iota3A_140 = tpu.iota {dimensions = array<i32: 1>} : vector<64x72xi32>
    %broadcast_in_dim3A_141 = arith.constant 0.000000e+00 : bf16
    %broadcast_in_dim3A_142 = vector.broadcast %broadcast_in_dim3A_141 : bf16 to vector<64x72xbf16>
    %slice3A_143 = vector.extract_strided_slice %add3A_139 {offsets = [0, 0], sizes = [64, 1], strides = [1, 1]} : vector<64x8xi32> to vector<64x1xi32>
    %eq3A_144 = vector.broadcast %slice3A_143 : vector<64x1xi32> to vector<64x72xi32>
    %eq3A_145 = arith.cmpi eq, %iota3A_140, %eq3A_144 : vector<64x72xi32>
    %convert_element_type3A_146 = arith.extui %eq3A_145 : vector<64x72xi1> to vector<64x72xi32>
    %convert_element_type3A_147 = arith.sitofp %convert_element_type3A_146 : vector<64x72xi32> to vector<64x72xf32>
    %convert_element_type3A_148 = arith.truncf %convert_element_type3A_147 : vector<64x72xf32> to vector<64x72xbf16>
    %add3A_149 = arith.addf %broadcast_in_dim3A_142, %convert_element_type3A_148 : vector<64x72xbf16>
    %slice3A_150 = vector.extract_strided_slice %add3A_139 {offsets = [0, 1], sizes = [64, 1], strides = [1, 1]} : vector<64x8xi32> to vector<64x1xi32>
    %eq3A_151 = vector.broadcast %slice3A_150 : vector<64x1xi32> to vector<64x72xi32>
    %eq3A_152 = arith.cmpi eq, %iota3A_140, %eq3A_151 : vector<64x72xi32>
    %convert_element_type3A_153 = arith.extui %eq3A_152 : vector<64x72xi1> to vector<64x72xi32>
    %convert_element_type3A_154 = arith.sitofp %convert_element_type3A_153 : vector<64x72xi32> to vector<64x72xf32>
    %convert_element_type3A_155 = arith.truncf %convert_element_type3A_154 : vector<64x72xf32> to vector<64x72xbf16>
    %add3A_156 = arith.addf %add3A_149, %convert_element_type3A_155 : vector<64x72xbf16>
    %slice3A_157 = vector.extract_strided_slice %add3A_139 {offsets = [0, 2], sizes = [64, 1], strides = [1, 1]} : vector<64x8xi32> to vector<64x1xi32>
    %eq3A_158 = vector.broadcast %slice3A_157 : vector<64x1xi32> to vector<64x72xi32>
    %eq3A_159 = arith.cmpi eq, %iota3A_140, %eq3A_158 : vector<64x72xi32>
    %convert_element_type3A_160 = arith.extui %eq3A_159 : vector<64x72xi1> to vector<64x72xi32>
    %convert_element_type3A_161 = arith.sitofp %convert_element_type3A_160 : vector<64x72xi32> to vector<64x72xf32>
    %convert_element_type3A_162 = arith.truncf %convert_element_type3A_161 : vector<64x72xf32> to vector<64x72xbf16>
    %add3A_163 = arith.addf %add3A_156, %convert_element_type3A_162 : vector<64x72xbf16>
    %slice3A_164 = vector.extract_strided_slice %add3A_139 {offsets = [0, 3], sizes = [64, 1], strides = [1, 1]} : vector<64x8xi32> to vector<64x1xi32>
    %eq3A_165 = vector.broadcast %slice3A_164 : vector<64x1xi32> to vector<64x72xi32>
    %eq3A_166 = arith.cmpi eq, %iota3A_140, %eq3A_165 : vector<64x72xi32>
    %convert_element_type3A_167 = arith.extui %eq3A_166 : vector<64x72xi1> to vector<64x72xi32>
    %convert_element_type3A_168 = arith.sitofp %convert_element_type3A_167 : vector<64x72xi32> to vector<64x72xf32>
    %convert_element_type3A_169 = arith.truncf %convert_element_type3A_168 : vector<64x72xf32> to vector<64x72xbf16>
    %add3A_170 = arith.addf %add3A_163, %convert_element_type3A_169 : vector<64x72xbf16>
    %slice3A_171 = vector.extract_strided_slice %add3A_139 {offsets = [0, 4], sizes = [64, 1], strides = [1, 1]} : vector<64x8xi32> to vector<64x1xi32>
    %eq3A_172 = vector.broadcast %slice3A_171 : vector<64x1xi32> to vector<64x72xi32>
    %eq3A_173 = arith.cmpi eq, %iota3A_140, %eq3A_172 : vector<64x72xi32>
    %convert_element_type3A_174 = arith.extui %eq3A_173 : vector<64x72xi1> to vector<64x72xi32>
    %convert_element_type3A_175 = arith.sitofp %convert_element_type3A_174 : vector<64x72xi32> to vector<64x72xf32>
    %convert_element_type3A_176 = arith.truncf %convert_element_type3A_175 : vector<64x72xf32> to vector<64x72xbf16>
    %add3A_177 = arith.addf %add3A_170, %convert_element_type3A_176 : vector<64x72xbf16>
    %slice3A_178 = vector.extract_strided_slice %add3A_139 {offsets = [0, 5], sizes = [64, 1], strides = [1, 1]} : vector<64x8xi32> to vector<64x1xi32>
    %eq3A_179 = vector.broadcast %slice3A_178 : vector<64x1xi32> to vector<64x72xi32>
    %eq3A_180 = arith.cmpi eq, %iota3A_140, %eq3A_179 : vector<64x72xi32>
    %convert_element_type3A_181 = arith.extui %eq3A_180 : vector<64x72xi1> to vector<64x72xi32>
    %convert_element_type3A_182 = arith.sitofp %convert_element_type3A_181 : vector<64x72xi32> to vector<64x72xf32>
    %convert_element_type3A_183 = arith.truncf %convert_element_type3A_182 : vector<64x72xf32> to vector<64x72xbf16>
    %add3A_184 = arith.addf %add3A_177, %convert_element_type3A_183 : vector<64x72xbf16>
    %slice3A_185 = vector.extract_strided_slice %add3A_139 {offsets = [0, 6], sizes = [64, 1], strides = [1, 1]} : vector<64x8xi32> to vector<64x1xi32>
    %eq3A_186 = vector.broadcast %slice3A_185 : vector<64x1xi32> to vector<64x72xi32>
    %eq3A_187 = arith.cmpi eq, %iota3A_140, %eq3A_186 : vector<64x72xi32>
    %convert_element_type3A_188 = arith.extui %eq3A_187 : vector<64x72xi1> to vector<64x72xi32>
    %convert_element_type3A_189 = arith.sitofp %convert_element_type3A_188 : vector<64x72xi32> to vector<64x72xf32>
    %convert_element_type3A_190 = arith.truncf %convert_element_type3A_189 : vector<64x72xf32> to vector<64x72xbf16>
    %add3A_191 = arith.addf %add3A_184, %convert_element_type3A_190 : vector<64x72xbf16>
    %slice3A_192 = vector.extract_strided_slice %add3A_139 {offsets = [0, 7], sizes = [64, 1], strides = [1, 1]} : vector<64x8xi32> to vector<64x1xi32>
    %eq3A_193 = vector.broadcast %slice3A_192 : vector<64x1xi32> to vector<64x72xi32>
    %eq3A_194 = arith.cmpi eq, %iota3A_140, %eq3A_193 : vector<64x72xi32>
    %convert_element_type3A_195 = arith.extui %eq3A_194 : vector<64x72xi1> to vector<64x72xi32>
    %convert_element_type3A_196 = arith.sitofp %convert_element_type3A_195 : vector<64x72xi32> to vector<64x72xf32>
    %convert_element_type3A_197 = arith.truncf %convert_element_type3A_196 : vector<64x72xf32> to vector<64x72xbf16>
    %add3A_198 = arith.addf %add3A_191, %convert_element_type3A_197 : vector<64x72xbf16>
    %broadcast_in_dim3A_199 = vector.shape_cast %add3A_198 : vector<64x72xbf16> to vector<1x64x72xbf16>
    %broadcast_in_dim3A_200 = vector.shape_cast %broadcast_in_dim3A_199 : vector<1x64x72xbf16> to vector<1x64x72xbf16>
    %broadcast_in_dim3A_201 = vector.broadcast %broadcast_in_dim3A_200 : vector<1x64x72xbf16> to vector<16x64x72xbf16>
    %get3A_202 = arith.constant 0 : index
    %get3A_203 = arith.constant 0 : index
    %get3A_204 = arith.constant 0 : index
    %get3A_205 = vector.load %arg10[%get3A_202, %get3A_203, %get3A_204] : memref<16x392x512xbf16, #tpu.memory_space<vmem>>, vector<16x72x512xbf16>
    %dot_general3A_206 = arith.constant dense<0.000000e+00> : vector<16x64x512xf32>
    %dot_general3A_207 = tpu.matmul %broadcast_in_dim3A_201, %get3A_205, %dot_general3A_206 {dimension_numbers = #tpu.dot_dimension_numbers<[2], [1], [1], [2], [0, 0, 0, 1, 1, 2], [0], [0]>, transpose_lhs_hint = false} : vector<16x64x72xbf16>, vector<16x72x512xbf16>, vector<16x64x512xf32> -> vector<16x64x512xf32>
    %reshape3A_208 = vector.shape_cast %dot_general3A_207 : vector<16x64x512xf32> to vector<1024x512xf32>
    %convert_element_type3A_209 = arith.truncf %reshape3A_208 : vector<1024x512xf32> to vector<1024x512xbf16>
    %slice3A_210 = vector.extract_strided_slice %add3A_28 {offsets = [64, 0], sizes = [64, 512], strides = [1, 1]} : vector<384x512xf32> to vector<64x512xf32>
    %broadcast_in_dim3A_211 = vector.shape_cast %slice3A_210 : vector<64x512xf32> to vector<1x64x512xf32>
    %broadcast_in_dim3A_212 = vector.shape_cast %broadcast_in_dim3A_211 : vector<1x64x512xf32> to vector<1x64x512xf32>
    %broadcast_in_dim3A_213 = vector.broadcast %broadcast_in_dim3A_212 : vector<1x64x512xf32> to vector<16x64x512xf32>
    %reshape3A_214 = vector.shape_cast %broadcast_in_dim3A_213 : vector<16x64x512xf32> to vector<1024x512xf32>
    %dot_general3A_215 = arith.constant dense<0.000000e+00> : vector<1024x512xf32>
    %dot_general3A_216 = tpu.matmul %convert_element_type3A_209, %get3A_34, %dot_general3A_215 {dimension_numbers = #tpu.dot_dimension_numbers<[1], [0], [0], [1], [0, 0, 1, 1], [], []>, transpose_lhs_hint = false} : vector<1024x512xbf16>, vector<512x512xbf16>, vector<1024x512xf32> -> vector<1024x512xf32>
    %add3A_217 = arith.addf %dot_general3A_216, %reshape3A_214 : vector<1024x512xf32>
    %max3A_218 = arith.constant 0.000000e+00 : f32
    %max3A_219 = vector.broadcast %max3A_218 : f32 to vector<1024x512xf32>
    %max3A_220 = arith.maximumf %add3A_217, %max3A_219 : vector<1024x512xf32>
    %convert_element_type3A_221 = arith.truncf %max3A_220 : vector<1024x512xf32> to vector<1024x512xbf16>
    %dot_general3A_222 = arith.constant dense<0.000000e+00> : vector<1024x512xf32>
    %dot_general3A_223 = tpu.matmul %convert_element_type3A_221, %get3A_37, %dot_general3A_222 {dimension_numbers = #tpu.dot_dimension_numbers<[1], [0], [0], [1], [0, 0, 1, 1], [], []>, transpose_lhs_hint = false} : vector<1024x512xbf16>, vector<512x512xbf16>, vector<1024x512xf32> -> vector<1024x512xf32>
    %add3A_224 = vector.broadcast %get3A_40 : vector<1x512xf32> to vector<1024x512xf32>
    %add3A_225 = arith.addf %dot_general3A_223, %add3A_224 : vector<1024x512xf32>
    %reshape3A_226 = vector.shape_cast %add3A_225 : vector<1024x512xf32> to vector<16x64x512xf32>
    %convert_element_type3A_227 = arith.truncf %reshape3A_226 : vector<16x64x512xf32> to vector<16x64x512xbf16>
    %swap3A_228 = arith.constant 0 : index
    %swap3A_229 = arith.constant 72 : index
    %swap3A_230 = arith.constant 0 : index
    %swap3A_231 = vector.load %arg10[%swap3A_228, %swap3A_229, %swap3A_230] : memref<16x392x512xbf16, #tpu.memory_space<vmem>>, vector<16x64x512xbf16>
    tpu.vector_store %arg10[%swap3A_228, %swap3A_229, %swap3A_230], %convert_element_type3A_227 {strides = array<i32>} : memref<16x392x512xbf16, #tpu.memory_space<vmem>>, vector<16x64x512xbf16>,
    %swap3A_232 = arith.constant 0 : index
    %swap3A_233 = arith.constant 65 : index
    %swap3A_234 = arith.constant 0 : index
    %swap3A_235 = vector.load %arg9[%swap3A_232, %swap3A_233, %swap3A_234] : memref<16x392x512xf32, #tpu.memory_space<vmem>>, vector<16x64x512xf32>
    tpu.vector_store %arg9[%swap3A_232, %swap3A_233, %swap3A_234], %reshape3A_226 {strides = array<i32>} : memref<16x392x512xf32, #tpu.memory_space<vmem>>, vector<16x64x512xf32>,
    %slice3A_236 = vector.extract_strided_slice %get3A_31 {offsets = [0, 16], sizes = [64, 8], strides = [1, 1]} : vector<64x48xi32> to vector<64x8xi32>
    %add3A_237 = arith.constant 7 : i32
    %add3A_238 = vector.broadcast %add3A_237 : i32 to vector<64x8xi32>
    %add3A_239 = arith.addi %slice3A_236, %add3A_238 : vector<64x8xi32>
    %iota3A_240 = tpu.iota {dimensions = array<i32: 1>} : vector<64x136xi32>
    %broadcast_in_dim3A_241 = arith.constant 0.000000e+00 : bf16
    %broadcast_in_dim3A_242 = vector.broadcast %broadcast_in_dim3A_241 : bf16 to vector<64x136xbf16>
    %slice3A_243 = vector.extract_strided_slice %add3A_239 {offsets = [0, 0], sizes = [64, 1], strides = [1, 1]} : vector<64x8xi32> to vector<64x1xi32>
    %eq3A_244 = vector.broadcast %slice3A_243 : vector<64x1xi32> to vector<64x136xi32>
    %eq3A_245 = arith.cmpi eq, %iota3A_240, %eq3A_244 : vector<64x136xi32>
    %convert_element_type3A_246 = arith.extui %eq3A_245 : vector<64x136xi1> to vector<64x136xi32>
    %convert_element_type3A_247 = arith.sitofp %convert_element_type3A_246 : vector<64x136xi32> to vector<64x136xf32>
    %convert_element_type3A_248 = arith.truncf %convert_element_type3A_247 : vector<64x136xf32> to vector<64x136xbf16>
    %add3A_249 = arith.addf %broadcast_in_dim3A_242, %convert_element_type3A_248 : vector<64x136xbf16>
    %slice3A_250 = vector.extract_strided_slice %add3A_239 {offsets = [0, 1], sizes = [64, 1], strides = [1, 1]} : vector<64x8xi32> to vector<64x1xi32>
    %eq3A_251 = vector.broadcast %slice3A_250 : vector<64x1xi32> to vector<64x136xi32>
    %eq3A_252 = arith.cmpi eq, %iota3A_240, %eq3A_251 : vector<64x136xi32>
    %convert_element_type3A_253 = arith.extui %eq3A_252 : vector<64x136xi1> to vector<64x136xi32>
    %convert_element_type3A_254 = arith.sitofp %convert_element_type3A_253 : vector<64x136xi32> to vector<64x136xf32>
    %convert_element_type3A_255 = arith.truncf %convert_element_type3A_254 : vector<64x136xf32> to vector<64x136xbf16>
    %add3A_256 = arith.addf %add3A_249, %convert_element_type3A_255 : vector<64x136xbf16>
    %slice3A_257 = vector.extract_strided_slice %add3A_239 {offsets = [0, 2], sizes = [64, 1], strides = [1, 1]} : vector<64x8xi32> to vector<64x1xi32>
    %eq3A_258 = vector.broadcast %slice3A_257 : vector<64x1xi32> to vector<64x136xi32>
    %eq3A_259 = arith.cmpi eq, %iota3A_240, %eq3A_258 : vector<64x136xi32>
    %convert_element_type3A_260 = arith.extui %eq3A_259 : vector<64x136xi1> to vector<64x136xi32>
    %convert_element_type3A_261 = arith.sitofp %convert_element_type3A_260 : vector<64x136xi32> to vector<64x136xf32>
    %convert_element_type3A_262 = arith.truncf %convert_element_type3A_261 : vector<64x136xf32> to vector<64x136xbf16>
    %add3A_263 = arith.addf %add3A_256, %convert_element_type3A_262 : vector<64x136xbf16>
    %slice3A_264 = vector.extract_strided_slice %add3A_239 {offsets = [0, 3], sizes = [64, 1], strides = [1, 1]} : vector<64x8xi32> to vector<64x1xi32>
    %eq3A_265 = vector.broadcast %slice3A_264 : vector<64x1xi32> to vector<64x136xi32>
    %eq3A_266 = arith.cmpi eq, %iota3A_240, %eq3A_265 : vector<64x136xi32>
    %convert_element_type3A_267 = arith.extui %eq3A_266 : vector<64x136xi1> to vector<64x136xi32>
    %convert_element_type3A_268 = arith.sitofp %convert_element_type3A_267 : vector<64x136xi32> to vector<64x136xf32>
    %convert_element_type3A_269 = arith.truncf %convert_element_type3A_268 : vector<64x136xf32> to vector<64x136xbf16>
    %add3A_270 = arith.addf %add3A_263, %convert_element_type3A_269 : vector<64x136xbf16>
    %slice3A_271 = vector.extract_strided_slice %add3A_239 {offsets = [0, 4], sizes = [64, 1], strides = [1, 1]} : vector<64x8xi32> to vector<64x1xi32>
    %eq3A_272 = vector.broadcast %slice3A_271 : vector<64x1xi32> to vector<64x136xi32>
    %eq3A_273 = arith.cmpi eq, %iota3A_240, %eq3A_272 : vector<64x136xi32>
    %convert_element_type3A_274 = arith.extui %eq3A_273 : vector<64x136xi1> to vector<64x136xi32>
    %convert_element_type3A_275 = arith.sitofp %convert_element_type3A_274 : vector<64x136xi32> to vector<64x136xf32>
    %convert_element_type3A_276 = arith.truncf %convert_element_type3A_275 : vector<64x136xf32> to vector<64x136xbf16>
    %add3A_277 = arith.addf %add3A_270, %convert_element_type3A_276 : vector<64x136xbf16>
    %slice3A_278 = vector.extract_strided_slice %add3A_239 {offsets = [0, 5], sizes = [64, 1], strides = [1, 1]} : vector<64x8xi32> to vector<64x1xi32>
    %eq3A_279 = vector.broadcast %slice3A_278 : vector<64x1xi32> to vector<64x136xi32>
    %eq3A_280 = arith.cmpi eq, %iota3A_240, %eq3A_279 : vector<64x136xi32>
    %convert_element_type3A_281 = arith.extui %eq3A_280 : vector<64x136xi1> to vector<64x136xi32>
    %convert_element_type3A_282 = arith.sitofp %convert_element_type3A_281 : vector<64x136xi32> to vector<64x136xf32>
    %convert_element_type3A_283 = arith.truncf %convert_element_type3A_282 : vector<64x136xf32> to vector<64x136xbf16>
    %add3A_284 = arith.addf %add3A_277, %convert_element_type3A_283 : vector<64x136xbf16>
    %slice3A_285 = vector.extract_strided_slice %add3A_239 {offsets = [0, 6], sizes = [64, 1], strides = [1, 1]} : vector<64x8xi32> to vector<64x1xi32>
    %eq3A_286 = vector.broadcast %slice3A_285 : vector<64x1xi32> to vector<64x136xi32>
    %eq3A_287 = arith.cmpi eq, %iota3A_240, %eq3A_286 : vector<64x136xi32>
    %convert_element_type3A_288 = arith.extui %eq3A_287 : vector<64x136xi1> to vector<64x136xi32>
    %convert_element_type3A_289 = arith.sitofp %convert_element_type3A_288 : vector<64x136xi32> to vector<64x136xf32>
    %convert_element_type3A_290 = arith.truncf %convert_element_type3A_289 : vector<64x136xf32> to vector<64x136xbf16>
    %add3A_291 = arith.addf %add3A_284, %convert_element_type3A_290 : vector<64x136xbf16>
    %slice3A_292 = vector.extract_strided_slice %add3A_239 {offsets = [0, 7], sizes = [64, 1], strides = [1, 1]} : vector<64x8xi32> to vector<64x1xi32>
    %eq3A_293 = vector.broadcast %slice3A_292 : vector<64x1xi32> to vector<64x136xi32>
    %eq3A_294 = arith.cmpi eq, %iota3A_240, %eq3A_293 : vector<64x136xi32>
    %convert_element_type3A_295 = arith.extui %eq3A_294 : vector<64x136xi1> to vector<64x136xi32>
    %convert_element_type3A_296 = arith.sitofp %convert_element_type3A_295 : vector<64x136xi32> to vector<64x136xf32>
    %convert_element_type3A_297 = arith.truncf %convert_element_type3A_296 : vector<64x136xf32> to vector<64x136xbf16>
    %add3A_298 = arith.addf %add3A_291, %convert_element_type3A_297 : vector<64x136xbf16>
    %broadcast_in_dim3A_299 = vector.shape_cast %add3A_298 : vector<64x136xbf16> to vector<1x64x136xbf16>
    %broadcast_in_dim3A_300 = vector.shape_cast %broadcast_in_dim3A_299 : vector<1x64x136xbf16> to vector<1x64x136xbf16>
    %broadcast_in_dim3A_301 = vector.broadcast %broadcast_in_dim3A_300 : vector<1x64x136xbf16> to vector<16x64x136xbf16>
    %get3A_302 = arith.constant 0 : index
    %get3A_303 = arith.constant 0 : index
    %get3A_304 = arith.constant 0 : index
    %get3A_305 = vector.load %arg10[%get3A_302, %get3A_303, %get3A_304] : memref<16x392x512xbf16, #tpu.memory_space<vmem>>, vector<16x136x512xbf16>
    %dot_general3A_306 = arith.constant dense<0.000000e+00> : vector<16x64x512xf32>
    %dot_general3A_307 = tpu.matmul %broadcast_in_dim3A_301, %get3A_305, %dot_general3A_306 {dimension_numbers = #tpu.dot_dimension_numbers<[2], [1], [1], [2], [0, 0, 0, 1, 1, 2], [0], [0]>, transpose_lhs_hint = false} : vector<16x64x136xbf16>, vector<16x136x512xbf16>, vector<16x64x512xf32> -> vector<16x64x512xf32>
    %reshape3A_308 = vector.shape_cast %dot_general3A_307 : vector<16x64x512xf32> to vector<1024x512xf32>
    %convert_element_type3A_309 = arith.truncf %reshape3A_308 : vector<1024x512xf32> to vector<1024x512xbf16>
    %slice3A_310 = vector.extract_strided_slice %add3A_28 {offsets = [128, 0], sizes = [64, 512], strides = [1, 1]} : vector<384x512xf32> to vector<64x512xf32>
    %broadcast_in_dim3A_311 = vector.shape_cast %slice3A_310 : vector<64x512xf32> to vector<1x64x512xf32>
    %broadcast_in_dim3A_312 = vector.shape_cast %broadcast_in_dim3A_311 : vector<1x64x512xf32> to vector<1x64x512xf32>
    %broadcast_in_dim3A_313 = vector.broadcast %broadcast_in_dim3A_312 : vector<1x64x512xf32> to vector<16x64x512xf32>
    %reshape3A_314 = vector.shape_cast %broadcast_in_dim3A_313 : vector<16x64x512xf32> to vector<1024x512xf32>
    %dot_general3A_315 = arith.constant dense<0.000000e+00> : vector<1024x512xf32>
    %dot_general3A_316 = tpu.matmul %convert_element_type3A_309, %get3A_34, %dot_general3A_315 {dimension_numbers = #tpu.dot_dimension_numbers<[1], [0], [0], [1], [0, 0, 1, 1], [], []>, transpose_lhs_hint = false} : vector<1024x512xbf16>, vector<512x512xbf16>, vector<1024x512xf32> -> vector<1024x512xf32>
    %add3A_317 = arith.addf %dot_general3A_316, %reshape3A_314 : vector<1024x512xf32>
    %max3A_318 = arith.constant 0.000000e+00 : f32
    %max3A_319 = vector.broadcast %max3A_318 : f32 to vector<1024x512xf32>
    %max3A_320 = arith.maximumf %add3A_317, %max3A_319 : vector<1024x512xf32>
    %convert_element_type3A_321 = arith.truncf %max3A_320 : vector<1024x512xf32> to vector<1024x512xbf16>
    %dot_general3A_322 = arith.constant dense<0.000000e+00> : vector<1024x512xf32>
    %dot_general3A_323 = tpu.matmul %convert_element_type3A_321, %get3A_37, %dot_general3A_322 {dimension_numbers = #tpu.dot_dimension_numbers<[1], [0], [0], [1], [0, 0, 1, 1], [], []>, transpose_lhs_hint = false} : vector<1024x512xbf16>, vector<512x512xbf16>, vector<1024x512xf32> -> vector<1024x512xf32>
    %add3A_324 = vector.broadcast %get3A_40 : vector<1x512xf32> to vector<1024x512xf32>
    %add3A_325 = arith.addf %dot_general3A_323, %add3A_324 : vector<1024x512xf32>
    %reshape3A_326 = vector.shape_cast %add3A_325 : vector<1024x512xf32> to vector<16x64x512xf32>
    %convert_element_type3A_327 = arith.truncf %reshape3A_326 : vector<16x64x512xf32> to vector<16x64x512xbf16>
    %swap3A_328 = arith.constant 0 : index
    %swap3A_329 = arith.constant 136 : index
    %swap3A_330 = arith.constant 0 : index
    %swap3A_331 = vector.load %arg10[%swap3A_328, %swap3A_329, %swap3A_330] : memref<16x392x512xbf16, #tpu.memory_space<vmem>>, vector<16x64x512xbf16>
    tpu.vector_store %arg10[%swap3A_328, %swap3A_329, %swap3A_330], %convert_element_type3A_327 {strides = array<i32>} : memref<16x392x512xbf16, #tpu.memory_space<vmem>>, vector<16x64x512xbf16>,
    %swap3A_332 = arith.constant 0 : index
    %swap3A_333 = arith.constant 129 : index
    %swap3A_334 = arith.constant 0 : index
    %swap3A_335 = vector.load %arg9[%swap3A_332, %swap3A_333, %swap3A_334] : memref<16x392x512xf32, #tpu.memory_space<vmem>>, vector<16x64x512xf32>
    tpu.vector_store %arg9[%swap3A_332, %swap3A_333, %swap3A_334], %reshape3A_326 {strides = array<i32>} : memref<16x392x512xf32, #tpu.memory_space<vmem>>, vector<16x64x512xf32>,
    %slice3A_336 = vector.extract_strided_slice %get3A_31 {offsets = [0, 24], sizes = [64, 8], strides = [1, 1]} : vector<64x48xi32> to vector<64x8xi32>
    %add3A_337 = arith.constant 7 : i32
    %add3A_338 = vector.broadcast %add3A_337 : i32 to vector<64x8xi32>
    %add3A_339 = arith.addi %slice3A_336, %add3A_338 : vector<64x8xi32>
    %iota3A_340 = tpu.iota {dimensions = array<i32: 1>} : vector<64x200xi32>
    %broadcast_in_dim3A_341 = arith.constant 0.000000e+00 : bf16
    %broadcast_in_dim3A_342 = vector.broadcast %broadcast_in_dim3A_341 : bf16 to vector<64x200xbf16>
    %slice3A_343 = vector.extract_strided_slice %add3A_339 {offsets = [0, 0], sizes = [64, 1], strides = [1, 1]} : vector<64x8xi32> to vector<64x1xi32>
    %eq3A_344 = vector.broadcast %slice3A_343 : vector<64x1xi32> to vector<64x200xi32>
    %eq3A_345 = arith.cmpi eq, %iota3A_340, %eq3A_344 : vector<64x200xi32>
    %convert_element_type3A_346 = arith.extui %eq3A_345 : vector<64x200xi1> to vector<64x200xi32>
    %convert_element_type3A_347 = arith.sitofp %convert_element_type3A_346 : vector<64x200xi32> to vector<64x200xf32>
    %convert_element_type3A_348 = arith.truncf %convert_element_type3A_347 : vector<64x200xf32> to vector<64x200xbf16>
    %add3A_349 = arith.addf %broadcast_in_dim3A_342, %convert_element_type3A_348 : vector<64x200xbf16>
    %slice3A_350 = vector.extract_strided_slice %add3A_339 {offsets = [0, 1], sizes = [64, 1], strides = [1, 1]} : vector<64x8xi32> to vector<64x1xi32>
    %eq3A_351 = vector.broadcast %slice3A_350 : vector<64x1xi32> to vector<64x200xi32>
    %eq3A_352 = arith.cmpi eq, %iota3A_340, %eq3A_351 : vector<64x200xi32>
    %convert_element_type3A_353 = arith.extui %eq3A_352 : vector<64x200xi1> to vector<64x200xi32>
    %convert_element_type3A_354 = arith.sitofp %convert_element_type3A_353 : vector<64x200xi32> to vector<64x200xf32>
    %convert_element_type3A_355 = arith.truncf %convert_element_type3A_354 : vector<64x200xf32> to vector<64x200xbf16>
    %add3A_356 = arith.addf %add3A_349, %convert_element_type3A_355 : vector<64x200xbf16>
    %slice3A_357 = vector.extract_strided_slice %add3A_339 {offsets = [0, 2], sizes = [64, 1], strides = [1, 1]} : vector<64x8xi32> to vector<64x1xi32>
    %eq3A_358 = vector.broadcast %slice3A_357 : vector<64x1xi32> to vector<64x200xi32>
    %eq3A_359 = arith.cmpi eq, %iota3A_340, %eq3A_358 : vector<64x200xi32>
    %convert_element_type3A_360 = arith.extui %eq3A_359 : vector<64x200xi1> to vector<64x200xi32>
    %convert_element_type3A_361 = arith.sitofp %convert_element_type3A_360 : vector<64x200xi32> to vector<64x200xf32>
    %convert_element_type3A_362 = arith.truncf %convert_element_type3A_361 : vector<64x200xf32> to vector<64x200xbf16>
    %add3A_363 = arith.addf %add3A_356, %convert_element_type3A_362 : vector<64x200xbf16>
    %slice3A_364 = vector.extract_strided_slice %add3A_339 {offsets = [0, 3], sizes = [64, 1], strides = [1, 1]} : vector<64x8xi32> to vector<64x1xi32>
    %eq3A_365 = vector.broadcast %slice3A_364 : vector<64x1xi32> to vector<64x200xi32>
    %eq3A_366 = arith.cmpi eq, %iota3A_340, %eq3A_365 : vector<64x200xi32>
    %convert_element_type3A_367 = arith.extui %eq3A_366 : vector<64x200xi1> to vector<64x200xi32>
    %convert_element_type3A_368 = arith.sitofp %convert_element_type3A_367 : vector<64x200xi32> to vector<64x200xf32>
    %convert_element_type3A_369 = arith.truncf %convert_element_type3A_368 : vector<64x200xf32> to vector<64x200xbf16>
    %add3A_370 = arith.addf %add3A_363, %convert_element_type3A_369 : vector<64x200xbf16>
    %slice3A_371 = vector.extract_strided_slice %add3A_339 {offsets = [0, 4], sizes = [64, 1], strides = [1, 1]} : vector<64x8xi32> to vector<64x1xi32>
    %eq3A_372 = vector.broadcast %slice3A_371 : vector<64x1xi32> to vector<64x200xi32>
    %eq3A_373 = arith.cmpi eq, %iota3A_340, %eq3A_372 : vector<64x200xi32>
    %convert_element_type3A_374 = arith.extui %eq3A_373 : vector<64x200xi1> to vector<64x200xi32>
    %convert_element_type3A_375 = arith.sitofp %convert_element_type3A_374 : vector<64x200xi32> to vector<64x200xf32>
    %convert_element_type3A_376 = arith.truncf %convert_element_type3A_375 : vector<64x200xf32> to vector<64x200xbf16>
    %add3A_377 = arith.addf %add3A_370, %convert_element_type3A_376 : vector<64x200xbf16>
    %slice3A_378 = vector.extract_strided_slice %add3A_339 {offsets = [0, 5], sizes = [64, 1], strides = [1, 1]} : vector<64x8xi32> to vector<64x1xi32>
    %eq3A_379 = vector.broadcast %slice3A_378 : vector<64x1xi32> to vector<64x200xi32>
    %eq3A_380 = arith.cmpi eq, %iota3A_340, %eq3A_379 : vector<64x200xi32>
    %convert_element_type3A_381 = arith.extui %eq3A_380 : vector<64x200xi1> to vector<64x200xi32>
    %convert_element_type3A_382 = arith.sitofp %convert_element_type3A_381 : vector<64x200xi32> to vector<64x200xf32>
    %convert_element_type3A_383 = arith.truncf %convert_element_type3A_382 : vector<64x200xf32> to vector<64x200xbf16>
    %add3A_384 = arith.addf %add3A_377, %convert_element_type3A_383 : vector<64x200xbf16>
    %slice3A_385 = vector.extract_strided_slice %add3A_339 {offsets = [0, 6], sizes = [64, 1], strides = [1, 1]} : vector<64x8xi32> to vector<64x1xi32>
    %eq3A_386 = vector.broadcast %slice3A_385 : vector<64x1xi32> to vector<64x200xi32>
    %eq3A_387 = arith.cmpi eq, %iota3A_340, %eq3A_386 : vector<64x200xi32>
    %convert_element_type3A_388 = arith.extui %eq3A_387 : vector<64x200xi1> to vector<64x200xi32>
    %convert_element_type3A_389 = arith.sitofp %convert_element_type3A_388 : vector<64x200xi32> to vector<64x200xf32>
    %convert_element_type3A_390 = arith.truncf %convert_element_type3A_389 : vector<64x200xf32> to vector<64x200xbf16>
    %add3A_391 = arith.addf %add3A_384, %convert_element_type3A_390 : vector<64x200xbf16>
    %slice3A_392 = vector.extract_strided_slice %add3A_339 {offsets = [0, 7], sizes = [64, 1], strides = [1, 1]} : vector<64x8xi32> to vector<64x1xi32>
    %eq3A_393 = vector.broadcast %slice3A_392 : vector<64x1xi32> to vector<64x200xi32>
    %eq3A_394 = arith.cmpi eq, %iota3A_340, %eq3A_393 : vector<64x200xi32>
    %convert_element_type3A_395 = arith.extui %eq3A_394 : vector<64x200xi1> to vector<64x200xi32>
    %convert_element_type3A_396 = arith.sitofp %convert_element_type3A_395 : vector<64x200xi32> to vector<64x200xf32>
    %convert_element_type3A_397 = arith.truncf %convert_element_type3A_396 : vector<64x200xf32> to vector<64x200xbf16>
    %add3A_398 = arith.addf %add3A_391, %convert_element_type3A_397 : vector<64x200xbf16>
    %broadcast_in_dim3A_399 = vector.shape_cast %add3A_398 : vector<64x200xbf16> to vector<1x64x200xbf16>
    %broadcast_in_dim3A_400 = vector.shape_cast %broadcast_in_dim3A_399 : vector<1x64x200xbf16> to vector<1x64x200xbf16>
    %broadcast_in_dim3A_401 = vector.broadcast %broadcast_in_dim3A_400 : vector<1x64x200xbf16> to vector<16x64x200xbf16>
    %get3A_402 = arith.constant 0 : index
    %get3A_403 = arith.constant 0 : index
    %get3A_404 = arith.constant 0 : index
    %get3A_405 = vector.load %arg10[%get3A_402, %get3A_403, %get3A_404] : memref<16x392x512xbf16, #tpu.memory_space<vmem>>, vector<16x200x512xbf16>
    %dot_general3A_406 = arith.constant dense<0.000000e+00> : vector<16x64x512xf32>
    %dot_general3A_407 = tpu.matmul %broadcast_in_dim3A_401, %get3A_405, %dot_general3A_406 {dimension_numbers = #tpu.dot_dimension_numbers<[2], [1], [1], [2], [0, 0, 0, 1, 1, 2], [0], [0]>, transpose_lhs_hint = false} : vector<16x64x200xbf16>, vector<16x200x512xbf16>, vector<16x64x512xf32> -> vector<16x64x512xf32>
    %reshape3A_408 = vector.shape_cast %dot_general3A_407 : vector<16x64x512xf32> to vector<1024x512xf32>
    %convert_element_type3A_409 = arith.truncf %reshape3A_408 : vector<1024x512xf32> to vector<1024x512xbf16>
    %slice3A_410 = vector.extract_strided_slice %add3A_28 {offsets = [192, 0], sizes = [64, 512], strides = [1, 1]} : vector<384x512xf32> to vector<64x512xf32>
    %broadcast_in_dim3A_411 = vector.shape_cast %slice3A_410 : vector<64x512xf32> to vector<1x64x512xf32>
    %broadcast_in_dim3A_412 = vector.shape_cast %broadcast_in_dim3A_411 : vector<1x64x512xf32> to vector<1x64x512xf32>
    %broadcast_in_dim3A_413 = vector.broadcast %broadcast_in_dim3A_412 : vector<1x64x512xf32> to vector<16x64x512xf32>
    %reshape3A_414 = vector.shape_cast %broadcast_in_dim3A_413 : vector<16x64x512xf32> to vector<1024x512xf32>
    %dot_general3A_415 = arith.constant dense<0.000000e+00> : vector<1024x512xf32>
    %dot_general3A_416 = tpu.matmul %convert_element_type3A_409, %get3A_34, %dot_general3A_415 {dimension_numbers = #tpu.dot_dimension_numbers<[1], [0], [0], [1], [0, 0, 1, 1], [], []>, transpose_lhs_hint = false} : vector<1024x512xbf16>, vector<512x512xbf16>, vector<1024x512xf32> -> vector<1024x512xf32>
    %add3A_417 = arith.addf %dot_general3A_416, %reshape3A_414 : vector<1024x512xf32>
    %max3A_418 = arith.constant 0.000000e+00 : f32
    %max3A_419 = vector.broadcast %max3A_418 : f32 to vector<1024x512xf32>
    %max3A_420 = arith.maximumf %add3A_417, %max3A_419 : vector<1024x512xf32>
    %convert_element_type3A_421 = arith.truncf %max3A_420 : vector<1024x512xf32> to vector<1024x512xbf16>
    %dot_general3A_422 = arith.constant dense<0.000000e+00> : vector<1024x512xf32>
    %dot_general3A_423 = tpu.matmul %convert_element_type3A_421, %get3A_37, %dot_general3A_422 {dimension_numbers = #tpu.dot_dimension_numbers<[1], [0], [0], [1], [0, 0, 1, 1], [], []>, transpose_lhs_hint = false} : vector<1024x512xbf16>, vector<512x512xbf16>, vector<1024x512xf32> -> vector<1024x512xf32>
    %add3A_424 = vector.broadcast %get3A_40 : vector<1x512xf32> to vector<1024x512xf32>
    %add3A_425 = arith.addf %dot_general3A_423, %add3A_424 : vector<1024x512xf32>
    %reshape3A_426 = vector.shape_cast %add3A_425 : vector<1024x512xf32> to vector<16x64x512xf32>
    %convert_element_type3A_427 = arith.truncf %reshape3A_426 : vector<16x64x512xf32> to vector<16x64x512xbf16>
    %swap3A_428 = arith.constant 0 : index
    %swap3A_429 = arith.constant 200 : index
    %swap3A_430 = arith.constant 0 : index
    %swap3A_431 = vector.load %arg10[%swap3A_428, %swap3A_429, %swap3A_430] : memref<16x392x512xbf16, #tpu.memory_space<vmem>>, vector<16x64x512xbf16>
    tpu.vector_store %arg10[%swap3A_428, %swap3A_429, %swap3A_430], %convert_element_type3A_427 {strides = array<i32>} : memref<16x392x512xbf16, #tpu.memory_space<vmem>>, vector<16x64x512xbf16>,
    %swap3A_432 = arith.constant 0 : index
    %swap3A_433 = arith.constant 193 : index
    %swap3A_434 = arith.constant 0 : index
    %swap3A_435 = vector.load %arg9[%swap3A_432, %swap3A_433, %swap3A_434] : memref<16x392x512xf32, #tpu.memory_space<vmem>>, vector<16x64x512xf32>
    tpu.vector_store %arg9[%swap3A_432, %swap3A_433, %swap3A_434], %reshape3A_426 {strides = array<i32>} : memref<16x392x512xf32, #tpu.memory_space<vmem>>, vector<16x64x512xf32>,
    %slice3A_436 = vector.extract_strided_slice %get3A_31 {offsets = [0, 32], sizes = [64, 8], strides = [1, 1]} : vector<64x48xi32> to vector<64x8xi32>
    %add3A_437 = arith.constant 7 : i32
    %add3A_438 = vector.broadcast %add3A_437 : i32 to vector<64x8xi32>
    %add3A_439 = arith.addi %slice3A_436, %add3A_438 : vector<64x8xi32>
    %iota3A_440 = tpu.iota {dimensions = array<i32: 1>} : vector<64x264xi32>
    %broadcast_in_dim3A_441 = arith.constant 0.000000e+00 : bf16
    %broadcast_in_dim3A_442 = vector.broadcast %broadcast_in_dim3A_441 : bf16 to vector<64x264xbf16>
    %slice3A_443 = vector.extract_strided_slice %add3A_439 {offsets = [0, 0], sizes = [64, 1], strides = [1, 1]} : vector<64x8xi32> to vector<64x1xi32>
    %eq3A_444 = vector.broadcast %slice3A_443 : vector<64x1xi32> to vector<64x264xi32>
    %eq3A_445 = arith.cmpi eq, %iota3A_440, %eq3A_444 : vector<64x264xi32>
    %convert_element_type3A_446 = arith.extui %eq3A_445 : vector<64x264xi1> to vector<64x264xi32>
    %convert_element_type3A_447 = arith.sitofp %convert_element_type3A_446 : vector<64x264xi32> to vector<64x264xf32>
    %convert_element_type3A_448 = arith.truncf %convert_element_type3A_447 : vector<64x264xf32> to vector<64x264xbf16>
    %add3A_449 = arith.addf %broadcast_in_dim3A_442, %convert_element_type3A_448 : vector<64x264xbf16>
    %slice3A_450 = vector.extract_strided_slice %add3A_439 {offsets = [0, 1], sizes = [64, 1], strides = [1, 1]} : vector<64x8xi32> to vector<64x1xi32>
    %eq3A_451 = vector.broadcast %slice3A_450 : vector<64x1xi32> to vector<64x264xi32>
    %eq3A_452 = arith.cmpi eq, %iota3A_440, %eq3A_451 : vector<64x264xi32>
    %convert_element_type3A_453 = arith.extui %eq3A_452 : vector<64x264xi1> to vector<64x264xi32>
    %convert_element_type3A_454 = arith.sitofp %convert_element_type3A_453 : vector<64x264xi32> to vector<64x264xf32>
    %convert_element_type3A_455 = arith.truncf %convert_element_type3A_454 : vector<64x264xf32> to vector<64x264xbf16>
    %add3A_456 = arith.addf %add3A_449, %convert_element_type3A_455 : vector<64x264xbf16>
    %slice3A_457 = vector.extract_strided_slice %add3A_439 {offsets = [0, 2], sizes = [64, 1], strides = [1, 1]} : vector<64x8xi32> to vector<64x1xi32>
    %eq3A_458 = vector.broadcast %slice3A_457 : vector<64x1xi32> to vector<64x264xi32>
    %eq3A_459 = arith.cmpi eq, %iota3A_440, %eq3A_458 : vector<64x264xi32>
    %convert_element_type3A_460 = arith.extui %eq3A_459 : vector<64x264xi1> to vector<64x264xi32>
    %convert_element_type3A_461 = arith.sitofp %convert_element_type3A_460 : vector<64x264xi32> to vector<64x264xf32>
    %convert_element_type3A_462 = arith.truncf %convert_element_type3A_461 : vector<64x264xf32> to vector<64x264xbf16>
    %add3A_463 = arith.addf %add3A_456, %convert_element_type3A_462 : vector<64x264xbf16>
    %slice3A_464 = vector.extract_strided_slice %add3A_439 {offsets = [0, 3], sizes = [64, 1], strides = [1, 1]} : vector<64x8xi32> to vector<64x1xi32>
    %eq3A_465 = vector.broadcast %slice3A_464 : vector<64x1xi32> to vector<64x264xi32>
    %eq3A_466 = arith.cmpi eq, %iota3A_440, %eq3A_465 : vector<64x264xi32>
    %convert_element_type3A_467 = arith.extui %eq3A_466 : vector<64x264xi1> to vector<64x264xi32>
    %convert_element_type3A_468 = arith.sitofp %convert_element_type3A_467 : vector<64x264xi32> to vector<64x264xf32>
    %convert_element_type3A_469 = arith.truncf %convert_element_type3A_468 : vector<64x264xf32> to vector<64x264xbf16>
    %add3A_470 = arith.addf %add3A_463, %convert_element_type3A_469 : vector<64x264xbf16>
    %slice3A_471 = vector.extract_strided_slice %add3A_439 {offsets = [0, 4], sizes = [64, 1], strides = [1, 1]} : vector<64x8xi32> to vector<64x1xi32>
    %eq3A_472 = vector.broadcast %slice3A_471 : vector<64x1xi32> to vector<64x264xi32>
    %eq3A_473 = arith.cmpi eq, %iota3A_440, %eq3A_472 : vector<64x264xi32>
    %convert_element_type3A_474 = arith.extui %eq3A_473 : vector<64x264xi1> to vector<64x264xi32>
    %convert_element_type3A_475 = arith.sitofp %convert_element_type3A_474 : vector<64x264xi32> to vector<64x264xf32>
    %convert_element_type3A_476 = arith.truncf %convert_element_type3A_475 : vector<64x264xf32> to vector<64x264xbf16>
    %add3A_477 = arith.addf %add3A_470, %convert_element_type3A_476 : vector<64x264xbf16>
    %slice3A_478 = vector.extract_strided_slice %add3A_439 {offsets = [0, 5], sizes = [64, 1], strides = [1, 1]} : vector<64x8xi32> to vector<64x1xi32>
    %eq3A_479 = vector.broadcast %slice3A_478 : vector<64x1xi32> to vector<64x264xi32>
    %eq3A_480 = arith.cmpi eq, %iota3A_440, %eq3A_479 : vector<64x264xi32>
    %convert_element_type3A_481 = arith.extui %eq3A_480 : vector<64x264xi1> to vector<64x264xi32>
    %convert_element_type3A_482 = arith.sitofp %convert_element_type3A_481 : vector<64x264xi32> to vector<64x264xf32>
    %convert_element_type3A_483 = arith.truncf %convert_element_type3A_482 : vector<64x264xf32> to vector<64x264xbf16>
    %add3A_484 = arith.addf %add3A_477, %convert_element_type3A_483 : vector<64x264xbf16>
    %slice3A_485 = vector.extract_strided_slice %add3A_439 {offsets = [0, 6], sizes = [64, 1], strides = [1, 1]} : vector<64x8xi32> to vector<64x1xi32>
    %eq3A_486 = vector.broadcast %slice3A_485 : vector<64x1xi32> to vector<64x264xi32>
    %eq3A_487 = arith.cmpi eq, %iota3A_440, %eq3A_486 : vector<64x264xi32>
    %convert_element_type3A_488 = arith.extui %eq3A_487 : vector<64x264xi1> to vector<64x264xi32>
    %convert_element_type3A_489 = arith.sitofp %convert_element_type3A_488 : vector<64x264xi32> to vector<64x264xf32>
    %convert_element_type3A_490 = arith.truncf %convert_element_type3A_489 : vector<64x264xf32> to vector<64x264xbf16>
    %add3A_491 = arith.addf %add3A_484, %convert_element_type3A_490 : vector<64x264xbf16>
    %slice3A_492 = vector.extract_strided_slice %add3A_439 {offsets = [0, 7], sizes = [64, 1], strides = [1, 1]} : vector<64x8xi32> to vector<64x1xi32>
    %eq3A_493 = vector.broadcast %slice3A_492 : vector<64x1xi32> to vector<64x264xi32>
    %eq3A_494 = arith.cmpi eq, %iota3A_440, %eq3A_493 : vector<64x264xi32>
    %convert_element_type3A_495 = arith.extui %eq3A_494 : vector<64x264xi1> to vector<64x264xi32>
    %convert_element_type3A_496 = arith.sitofp %convert_element_type3A_495 : vector<64x264xi32> to vector<64x264xf32>
    %convert_element_type3A_497 = arith.truncf %convert_element_type3A_496 : vector<64x264xf32> to vector<64x264xbf16>
    %add3A_498 = arith.addf %add3A_491, %convert_element_type3A_497 : vector<64x264xbf16>
    %broadcast_in_dim3A_499 = vector.shape_cast %add3A_498 : vector<64x264xbf16> to vector<1x64x264xbf16>
    %broadcast_in_dim3A_500 = vector.shape_cast %broadcast_in_dim3A_499 : vector<1x64x264xbf16> to vector<1x64x264xbf16>
    %broadcast_in_dim3A_501 = vector.broadcast %broadcast_in_dim3A_500 : vector<1x64x264xbf16> to vector<16x64x264xbf16>
    %get3A_502 = arith.constant 0 : index
    %get3A_503 = arith.constant 0 : index
    %get3A_504 = arith.constant 0 : index
    %get3A_505 = vector.load %arg10[%get3A_502, %get3A_503, %get3A_504] : memref<16x392x512xbf16, #tpu.memory_space<vmem>>, vector<16x264x512xbf16>
    %dot_general3A_506 = arith.constant dense<0.000000e+00> : vector<16x64x512xf32>
    %dot_general3A_507 = tpu.matmul %broadcast_in_dim3A_501, %get3A_505, %dot_general3A_506 {dimension_numbers = #tpu.dot_dimension_numbers<[2], [1], [1], [2], [0, 0, 0, 1, 1, 2], [0], [0]>, transpose_lhs_hint = false} : vector<16x64x264xbf16>, vector<16x264x512xbf16>, vector<16x64x512xf32> -> vector<16x64x512xf32>
    %reshape3A_508 = vector.shape_cast %dot_general3A_507 : vector<16x64x512xf32> to vector<1024x512xf32>
    %convert_element_type3A_509 = arith.truncf %reshape3A_508 : vector<1024x512xf32> to vector<1024x512xbf16>
    %slice3A_510 = vector.extract_strided_slice %add3A_28 {offsets = [256, 0], sizes = [64, 512], strides = [1, 1]} : vector<384x512xf32> to vector<64x512xf32>
    %broadcast_in_dim3A_511 = vector.shape_cast %slice3A_510 : vector<64x512xf32> to vector<1x64x512xf32>
    %broadcast_in_dim3A_512 = vector.shape_cast %broadcast_in_dim3A_511 : vector<1x64x512xf32> to vector<1x64x512xf32>
    %broadcast_in_dim3A_513 = vector.broadcast %broadcast_in_dim3A_512 : vector<1x64x512xf32> to vector<16x64x512xf32>
    %reshape3A_514 = vector.shape_cast %broadcast_in_dim3A_513 : vector<16x64x512xf32> to vector<1024x512xf32>
    %dot_general3A_515 = arith.constant dense<0.000000e+00> : vector<1024x512xf32>
    %dot_general3A_516 = tpu.matmul %convert_element_type3A_509, %get3A_34, %dot_general3A_515 {dimension_numbers = #tpu.dot_dimension_numbers<[1], [0], [0], [1], [0, 0, 1, 1], [], []>, transpose_lhs_hint = false} : vector<1024x512xbf16>, vector<512x512xbf16>, vector<1024x512xf32> -> vector<1024x512xf32>
    %add3A_517 = arith.addf %dot_general3A_516, %reshape3A_514 : vector<1024x512xf32>
    %max3A_518 = arith.constant 0.000000e+00 : f32
    %max3A_519 = vector.broadcast %max3A_518 : f32 to vector<1024x512xf32>
    %max3A_520 = arith.maximumf %add3A_517, %max3A_519 : vector<1024x512xf32>
    %convert_element_type3A_521 = arith.truncf %max3A_520 : vector<1024x512xf32> to vector<1024x512xbf16>
    %dot_general3A_522 = arith.constant dense<0.000000e+00> : vector<1024x512xf32>
    %dot_general3A_523 = tpu.matmul %convert_element_type3A_521, %get3A_37, %dot_general3A_522 {dimension_numbers = #tpu.dot_dimension_numbers<[1], [0], [0], [1], [0, 0, 1, 1], [], []>, transpose_lhs_hint = false} : vector<1024x512xbf16>, vector<512x512xbf16>, vector<1024x512xf32> -> vector<1024x512xf32>
    %add3A_524 = vector.broadcast %get3A_40 : vector<1x512xf32> to vector<1024x512xf32>
    %add3A_525 = arith.addf %dot_general3A_523, %add3A_524 : vector<1024x512xf32>
    %reshape3A_526 = vector.shape_cast %add3A_525 : vector<1024x512xf32> to vector<16x64x512xf32>
    %convert_element_type3A_527 = arith.truncf %reshape3A_526 : vector<16x64x512xf32> to vector<16x64x512xbf16>
    %swap3A_528 = arith.constant 0 : index
    %swap3A_529 = arith.constant 264 : index
    %swap3A_530 = arith.constant 0 : index
    %swap3A_531 = vector.load %arg10[%swap3A_528, %swap3A_529, %swap3A_530] : memref<16x392x512xbf16, #tpu.memory_space<vmem>>, vector<16x64x512xbf16>
    tpu.vector_store %arg10[%swap3A_528, %swap3A_529, %swap3A_530], %convert_element_type3A_527 {strides = array<i32>} : memref<16x392x512xbf16, #tpu.memory_space<vmem>>, vector<16x64x512xbf16>,
    %swap3A_532 = arith.constant 0 : index
    %swap3A_533 = arith.constant 257 : index
    %swap3A_534 = arith.constant 0 : index
    %swap3A_535 = vector.load %arg9[%swap3A_532, %swap3A_533, %swap3A_534] : memref<16x392x512xf32, #tpu.memory_space<vmem>>, vector<16x64x512xf32>
    tpu.vector_store %arg9[%swap3A_532, %swap3A_533, %swap3A_534], %reshape3A_526 {strides = array<i32>} : memref<16x392x512xf32, #tpu.memory_space<vmem>>, vector<16x64x512xf32>,
    %slice3A_536 = vector.extract_strided_slice %get3A_31 {offsets = [0, 40], sizes = [64, 8], strides = [1, 1]} : vector<64x48xi32> to vector<64x8xi32>
    %add3A_537 = arith.constant 7 : i32
    %add3A_538 = vector.broadcast %add3A_537 : i32 to vector<64x8xi32>
    %add3A_539 = arith.addi %slice3A_536, %add3A_538 : vector<64x8xi32>
    %iota3A_540 = tpu.iota {dimensions = array<i32: 1>} : vector<64x328xi32>
    %broadcast_in_dim3A_541 = arith.constant 0.000000e+00 : bf16
    %broadcast_in_dim3A_542 = vector.broadcast %broadcast_in_dim3A_541 : bf16 to vector<64x328xbf16>
    %slice3A_543 = vector.extract_strided_slice %add3A_539 {offsets = [0, 0], sizes = [64, 1], strides = [1, 1]} : vector<64x8xi32> to vector<64x1xi32>
    %eq3A_544 = vector.broadcast %slice3A_543 : vector<64x1xi32> to vector<64x328xi32>
    %eq3A_545 = arith.cmpi eq, %iota3A_540, %eq3A_544 : vector<64x328xi32>
    %convert_element_type3A_546 = arith.extui %eq3A_545 : vector<64x328xi1> to vector<64x328xi32>
    %convert_element_type3A_547 = arith.sitofp %convert_element_type3A_546 : vector<64x328xi32> to vector<64x328xf32>
    %convert_element_type3A_548 = arith.truncf %convert_element_type3A_547 : vector<64x328xf32> to vector<64x328xbf16>
    %add3A_549 = arith.addf %broadcast_in_dim3A_542, %convert_element_type3A_548 : vector<64x328xbf16>
    %slice3A_550 = vector.extract_strided_slice %add3A_539 {offsets = [0, 1], sizes = [64, 1], strides = [1, 1]} : vector<64x8xi32> to vector<64x1xi32>
    %eq3A_551 = vector.broadcast %slice3A_550 : vector<64x1xi32> to vector<64x328xi32>
    %eq3A_552 = arith.cmpi eq, %iota3A_540, %eq3A_551 : vector<64x328xi32>
    %convert_element_type3A_553 = arith.extui %eq3A_552 : vector<64x328xi1> to vector<64x328xi32>
    %convert_element_type3A_554 = arith.sitofp %convert_element_type3A_553 : vector<64x328xi32> to vector<64x328xf32>
    %convert_element_type3A_555 = arith.truncf %convert_element_type3A_554 : vector<64x328xf32> to vector<64x328xbf16>
    %add3A_556 = arith.addf %add3A_549, %convert_element_type3A_555 : vector<64x328xbf16>
    %slice3A_557 = vector.extract_strided_slice %add3A_539 {offsets = [0, 2], sizes = [64, 1], strides = [1, 1]} : vector<64x8xi32> to vector<64x1xi32>
    %eq3A_558 = vector.broadcast %slice3A_557 : vector<64x1xi32> to vector<64x328xi32>
    %eq3A_559 = arith.cmpi eq, %iota3A_540, %eq3A_558 : vector<64x328xi32>
    %convert_element_type3A_560 = arith.extui %eq3A_559 : vector<64x328xi1> to vector<64x328xi32>
    %convert_element_type3A_561 = arith.sitofp %convert_element_type3A_560 : vector<64x328xi32> to vector<64x328xf32>
    %convert_element_type3A_562 = arith.truncf %convert_element_type3A_561 : vector<64x328xf32> to vector<64x328xbf16>
    %add3A_563 = arith.addf %add3A_556, %convert_element_type3A_562 : vector<64x328xbf16>
    %slice3A_564 = vector.extract_strided_slice %add3A_539 {offsets = [0, 3], sizes = [64, 1], strides = [1, 1]} : vector<64x8xi32> to vector<64x1xi32>
    %eq3A_565 = vector.broadcast %slice3A_564 : vector<64x1xi32> to vector<64x328xi32>
    %eq3A_566 = arith.cmpi eq, %iota3A_540, %eq3A_565 : vector<64x328xi32>
    %convert_element_type3A_567 = arith.extui %eq3A_566 : vector<64x328xi1> to vector<64x328xi32>
    %convert_element_type3A_568 = arith.sitofp %convert_element_type3A_567 : vector<64x328xi32> to vector<64x328xf32>
    %convert_element_type3A_569 = arith.truncf %convert_element_type3A_568 : vector<64x328xf32> to vector<64x328xbf16>
    %add3A_570 = arith.addf %add3A_563, %convert_element_type3A_569 : vector<64x328xbf16>
    %slice3A_571 = vector.extract_strided_slice %add3A_539 {offsets = [0, 4], sizes = [64, 1], strides = [1, 1]} : vector<64x8xi32> to vector<64x1xi32>
    %eq3A_572 = vector.broadcast %slice3A_571 : vector<64x1xi32> to vector<64x328xi32>
    %eq3A_573 = arith.cmpi eq, %iota3A_540, %eq3A_572 : vector<64x328xi32>
    %convert_element_type3A_574 = arith.extui %eq3A_573 : vector<64x328xi1> to vector<64x328xi32>
    %convert_element_type3A_575 = arith.sitofp %convert_element_type3A_574 : vector<64x328xi32> to vector<64x328xf32>
    %convert_element_type3A_576 = arith.truncf %convert_element_type3A_575 : vector<64x328xf32> to vector<64x328xbf16>
    %add3A_577 = arith.addf %add3A_570, %convert_element_type3A_576 : vector<64x328xbf16>
    %slice3A_578 = vector.extract_strided_slice %add3A_539 {offsets = [0, 5], sizes = [64, 1], strides = [1, 1]} : vector<64x8xi32> to vector<64x1xi32>
    %eq3A_579 = vector.broadcast %slice3A_578 : vector<64x1xi32> to vector<64x328xi32>
    %eq3A_580 = arith.cmpi eq, %iota3A_540, %eq3A_579 : vector<64x328xi32>
    %convert_element_type3A_581 = arith.extui %eq3A_580 : vector<64x328xi1> to vector<64x328xi32>
    %convert_element_type3A_582 = arith.sitofp %convert_element_type3A_581 : vector<64x328xi32> to vector<64x328xf32>
    %convert_element_type3A_583 = arith.truncf %convert_element_type3A_582 : vector<64x328xf32> to vector<64x328xbf16>
    %add3A_584 = arith.addf %add3A_577, %convert_element_type3A_583 : vector<64x328xbf16>
    %slice3A_585 = vector.extract_strided_slice %add3A_539 {offsets = [0, 6], sizes = [64, 1], strides = [1, 1]} : vector<64x8xi32> to vector<64x1xi32>
    %eq3A_586 = vector.broadcast %slice3A_585 : vector<64x1xi32> to vector<64x328xi32>
    %eq3A_587 = arith.cmpi eq, %iota3A_540, %eq3A_586 : vector<64x328xi32>
    %convert_element_type3A_588 = arith.extui %eq3A_587 : vector<64x328xi1> to vector<64x328xi32>
    %convert_element_type3A_589 = arith.sitofp %convert_element_type3A_588 : vector<64x328xi32> to vector<64x328xf32>
    %convert_element_type3A_590 = arith.truncf %convert_element_type3A_589 : vector<64x328xf32> to vector<64x328xbf16>
    %add3A_591 = arith.addf %add3A_584, %convert_element_type3A_590 : vector<64x328xbf16>
    %slice3A_592 = vector.extract_strided_slice %add3A_539 {offsets = [0, 7], sizes = [64, 1], strides = [1, 1]} : vector<64x8xi32> to vector<64x1xi32>
    %eq3A_593 = vector.broadcast %slice3A_592 : vector<64x1xi32> to vector<64x328xi32>
    %eq3A_594 = arith.cmpi eq, %iota3A_540, %eq3A_593 : vector<64x328xi32>
    %convert_element_type3A_595 = arith.extui %eq3A_594 : vector<64x328xi1> to vector<64x328xi32>
    %convert_element_type3A_596 = arith.sitofp %convert_element_type3A_595 : vector<64x328xi32> to vector<64x328xf32>
    %convert_element_type3A_597 = arith.truncf %convert_element_type3A_596 : vector<64x328xf32> to vector<64x328xbf16>
    %add3A_598 = arith.addf %add3A_591, %convert_element_type3A_597 : vector<64x328xbf16>
    %broadcast_in_dim3A_599 = vector.shape_cast %add3A_598 : vector<64x328xbf16> to vector<1x64x328xbf16>
    %broadcast_in_dim3A_600 = vector.shape_cast %broadcast_in_dim3A_599 : vector<1x64x328xbf16> to vector<1x64x328xbf16>
    %broadcast_in_dim3A_601 = vector.broadcast %broadcast_in_dim3A_600 : vector<1x64x328xbf16> to vector<16x64x328xbf16>
    %get3A_602 = arith.constant 0 : index
    %get3A_603 = arith.constant 0 : index
    %get3A_604 = arith.constant 0 : index
    %get3A_605 = vector.load %arg10[%get3A_602, %get3A_603, %get3A_604] : memref<16x392x512xbf16, #tpu.memory_space<vmem>>, vector<16x328x512xbf16>
    %dot_general3A_606 = arith.constant dense<0.000000e+00> : vector<16x64x512xf32>
    %dot_general3A_607 = tpu.matmul %broadcast_in_dim3A_601, %get3A_605, %dot_general3A_606 {dimension_numbers = #tpu.dot_dimension_numbers<[2], [1], [1], [2], [0, 0, 0, 1, 1, 2], [0], [0]>, transpose_lhs_hint = false} : vector<16x64x328xbf16>, vector<16x328x512xbf16>, vector<16x64x512xf32> -> vector<16x64x512xf32>
    %reshape3A_608 = vector.shape_cast %dot_general3A_607 : vector<16x64x512xf32> to vector<1024x512xf32>
    %convert_element_type3A_609 = arith.truncf %reshape3A_608 : vector<1024x512xf32> to vector<1024x512xbf16>
    %slice3A_610 = vector.extract_strided_slice %add3A_28 {offsets = [320, 0], sizes = [64, 512], strides = [1, 1]} : vector<384x512xf32> to vector<64x512xf32>
    %broadcast_in_dim3A_611 = vector.shape_cast %slice3A_610 : vector<64x512xf32> to vector<1x64x512xf32>
    %broadcast_in_dim3A_612 = vector.shape_cast %broadcast_in_dim3A_611 : vector<1x64x512xf32> to vector<1x64x512xf32>
    %broadcast_in_dim3A_613 = vector.broadcast %broadcast_in_dim3A_612 : vector<1x64x512xf32> to vector<16x64x512xf32>
    %reshape3A_614 = vector.shape_cast %broadcast_in_dim3A_613 : vector<16x64x512xf32> to vector<1024x512xf32>
    %dot_general3A_615 = arith.constant dense<0.000000e+00> : vector<1024x512xf32>
    %dot_general3A_616 = tpu.matmul %convert_element_type3A_609, %get3A_34, %dot_general3A_615 {dimension_numbers = #tpu.dot_dimension_numbers<[1], [0], [0], [1], [0, 0, 1, 1], [], []>, transpose_lhs_hint = false} : vector<1024x512xbf16>, vector<512x512xbf16>, vector<1024x512xf32> -> vector<1024x512xf32>
    %add3A_617 = arith.addf %dot_general3A_616, %reshape3A_614 : vector<1024x512xf32>
    %max3A_618 = arith.constant 0.000000e+00 : f32
    %max3A_619 = vector.broadcast %max3A_618 : f32 to vector<1024x512xf32>
    %max3A_620 = arith.maximumf %add3A_617, %max3A_619 : vector<1024x512xf32>
    %convert_element_type3A_621 = arith.truncf %max3A_620 : vector<1024x512xf32> to vector<1024x512xbf16>
    %dot_general3A_622 = arith.constant dense<0.000000e+00> : vector<1024x512xf32>
    %dot_general3A_623 = tpu.matmul %convert_element_type3A_621, %get3A_37, %dot_general3A_622 {dimension_numbers = #tpu.dot_dimension_numbers<[1], [0], [0], [1], [0, 0, 1, 1], [], []>, transpose_lhs_hint = false} : vector<1024x512xbf16>, vector<512x512xbf16>, vector<1024x512xf32> -> vector<1024x512xf32>
    %add3A_624 = vector.broadcast %get3A_40 : vector<1x512xf32> to vector<1024x512xf32>
    %add3A_625 = arith.addf %dot_general3A_623, %add3A_624 : vector<1024x512xf32>
    %reshape3A_626 = vector.shape_cast %add3A_625 : vector<1024x512xf32> to vector<16x64x512xf32>
    %convert_element_type3A_627 = arith.truncf %reshape3A_626 : vector<16x64x512xf32> to vector<16x64x512xbf16>
    %swap3A_628 = arith.constant 0 : index
    %swap3A_629 = arith.constant 328 : index
    %swap3A_630 = arith.constant 0 : index
    %swap3A_631 = vector.load %arg10[%swap3A_628, %swap3A_629, %swap3A_630] : memref<16x392x512xbf16, #tpu.memory_space<vmem>>, vector<16x64x512xbf16>
    tpu.vector_store %arg10[%swap3A_628, %swap3A_629, %swap3A_630], %convert_element_type3A_627 {strides = array<i32>} : memref<16x392x512xbf16, #tpu.memory_space<vmem>>, vector<16x64x512xbf16>,
    %swap3A_632 = arith.constant 0 : index
    %swap3A_633 = arith.constant 321 : index
    %swap3A_634 = arith.constant 0 : index
    %swap3A_635 = vector.load %arg9[%swap3A_632, %swap3A_633, %swap3A_634] : memref<16x392x512xf32, #tpu.memory_space<vmem>>, vector<16x64x512xf32>
    tpu.vector_store %arg9[%swap3A_632, %swap3A_633, %swap3A_634], %reshape3A_626 {strides = array<i32>} : memref<16x392x512xf32, #tpu.memory_space<vmem>>, vector<16x64x512xf32>,
    return
  }
  func.func @transform_0(%arg0: i32) -> (i32, i32) {
    %c0_i32 = arith.constant 0 : i32
    %c0_i32_0 = arith.constant 0 : i32
    return %arg0, %c0_i32 : i32, i32
  }
  func.func @transform_1(%arg0: i32) -> (i32, i32) {
    %c0_i32 = arith.constant 0 : i32
    %c0_i32_0 = arith.constant 0 : i32
    %c0_i32_1 = arith.constant 0 : i32
    return %c0_i32, %c0_i32_0 : i32, i32
  }
  func.func @transform_2(%arg0: i32) -> (i32, i32) {
    %c0_i32 = arith.constant 0 : i32
    %c0_i32_0 = arith.constant 0 : i32
    %c0_i32_1 = arith.constant 0 : i32
    return %c0_i32, %c0_i32_0 : i32, i32
  }
  func.func @transform_3(%arg0: i32) -> (i32, i32) {
    %c0_i32 = arith.constant 0 : i32
    %c0_i32_0 = arith.constant 0 : i32
    %c0_i32_1 = arith.constant 0 : i32
    return %c0_i32, %c0_i32_0 : i32, i32
  }
  func.func @transform_4(%arg0: i32) -> (i32, i32) {
    %c0_i32 = arith.constant 0 : i32
    %c0_i32_0 = arith.constant 0 : i32
    %c0_i32_1 = arith.constant 0 : i32
    return %c0_i32, %c0_i32_0 : i32, i32
  }
  func.func @transform_5(%arg0: i32) -> (i32, i32) {
    %c0_i32 = arith.constant 0 : i32
    %c0_i32_0 = arith.constant 0 : i32
    %c0_i32_1 = arith.constant 0 : i32
    return %c0_i32, %c0_i32_0 : i32, i32
  }
  func.func @transform_6(%arg0: i32) -> (i32, i32) {
    %c0_i32 = arith.constant 0 : i32
    %c0_i32_0 = arith.constant 0 : i32
    %c0_i32_1 = arith.constant 0 : i32
    return %c0_i32, %c0_i32_0 : i32, i32
  }
  func.func @transform_7(%arg0: i32) -> (i32, i32) {
    %c0_i32 = arith.constant 0 : i32
    %c0_i32_0 = arith.constant 0 : i32
    %c0_i32_1 = arith.constant 0 : i32
    return %c0_i32, %c0_i32_0 : i32, i32
  }
  func.func @transform_8(%arg0: i32) -> (i32, i32, i32) {
    %c0_i32 = arith.constant 0 : i32
    %c0_i32_0 = arith.constant 0 : i32
    %c0_i32_1 = arith.constant 0 : i32
    return %arg0, %c0_i32, %c0_i32_0 : i32, i32, i32
  }
}

</mosaic_0001>

<sc_bundles>
// kernel: sparse-core-data-format-call.cloned.1.call-start
scs
called_computation_lowered:
.L_overlay_start_0:
0x0: {  	s2 =	sld [smem:$0x3FD9]  }
0x1: {  	s3 =	sld [smem:$0x3FFE];
	_ =	sdelay $0x1  }
0x2: {  	s1 =	srdreg.scid  }
0x3: {  	s0 =	sand.u32 $0x1, s1  }
0x4: {  	s18 =	sshll.u32 s0, $0xA;
	s2 =	sadd.s32 s3, s2  }
0x5: {  	s2 =	sadd.s32 s2, s18  }
0x6: {  	[smem:$0x3FC1] =	sst s2  }
0x7: {  	_ = 	snop  }
0x8: {  	s2 =	sld [smem:$0x3FD0];
	(tm) =	ssettm $0x1  }
0x9: {  	s19 =	sld [smem:$0x3FFB];
	_ =	sdelay $0x3  }
0xa: {  	_ =	strace s19  }
0xb: {  	s3 =	sld [smem:$0x3FFC];
	_ =	sdelay $0x3  }
0xc: {  	_ =	strace s3  }
0xd: {  	s3 =	sld [smem:$0x3FFD];
	_ =	sdelay $0x3  }
0xe: {  	_ =	strace s3  }
0xf: {  	_ =	strace $0x8FFFFFFF  }
0x10: {  	s20 =	sld [smem:$0x3FDB];
	_ =	sdelay $0x1  }
0x11: {  	s4 =	simm.s32 $_scs_section_size  }
0x12: {  	s5 =	simm.s32 $_size__tile_overlayer_lowered;
	s6 =	simm.s32 $_tile_overlayer_lowered  }
0x13: {  	s23 =	simm.s32 $0x1BFF;
	s22 =	sshll.u32 s6, $0x1;
	s3 =	sadd.s32 s4, s20  }
0x14: {  	s7 =	simm.s32 $0x0;
	s21 =	sshll.u32 s5, $0x1;
	s5 =	sadd.s32 s22, s3  }
0x15: {  	[timem:s7], [sflag:s23] =	dma.local [hbm:s5], s21  }
0x16: {  	_ =	swait.ge [sflag:s23], s21  }
0x17: {  	s4 =	ssub.s32 $0x0, s21;
	[sflag:s23] =	ssyncset.done $0x0  }
0x18: {  	[sflag:s23] =	ssyncadd.s32 s4;
	_ =	sdelay $0x1  }
0x19: {  	s24 =	simm.s32 $0x1B8B  }
0x1a: {  	_ =	swait.ge [sflag:s24], $0x1  }
0x1b: {  	[sflag:s24] =	ssyncset.done $0x0  }
0x1c: {  	s26 =	simm.s32 $0x1B8E;
	s25 =	sld [smem:$0x3FFE];
	[sflag:s24] =	ssyncadd.s32 $0xFFFFFFFF  }
0x1d: {  	s27 =	simm.s32 $execute0_lowered;
	[smem:$0x3FD2] =	sst s26  }
0x1e: {  	s5 =	sshll.u32 s27, $0x1;
	_ =	strace $0x80000046;
	[dreg:$0x1] =	wrdreg $0xFFFFFFFF  }
0x1f: {  	s28 =	simm.s32 $_size_execute0_lowered;
	s3 =	sadd.s32 s3, s5;
	[dreg:$0x0] =	wrdreg $0x0  }
0x20: {  	s5 =	sshll.u32 s28, $0x1;
	[dreg:$0x2] =	wrdreg s3  }
0x21: {  	[dreg:$0x3] =	wrdreg s5  }
0x22: {  	[dreg:$0x4] =	wrdreg $0xC0  }
0x23: {  	_ =	task [dreg:s7], $0x5FFFF  }
0x24: {  	[dreg:$0x1] =	wrdreg $0xFFFFFFFF  }
0x25: {  	[dreg:$0x0] =	wrdreg $0x60  }
0x26: {  	[dreg:$0x2] =	wrdreg s25  }
0x27: {  	[dreg:$0x3] =	wrdreg s2  }
0x28: {  	[dreg:$0x4] =	wrdreg $0x9  }
0x29: {  	_ =	task.clear_ibuf [dreg:s7], $0x5FFFF;
	_ =	strace $0x90000046  }
0x2a: {  	s29 =	simm.s32 $0x9;
	_ =	strace $0x80000048  }
0x2b: {  	_ =	swait.ge [sflag:s29], $0x1  }
0x2c: {  	[sflag:s29] =	ssyncadd.s32 $0xFFFFFFFF  }
0x2d: {  	_ =	strace $0x90000048  }
0x2e: {  	_ =	sfence  }
0x2f: {  	s30 =	sld [smem:$0x0];
	_ =	sdelay $0x2  }
0x30: {  	s31 =	sshll.u32 s1, $0xD;
	s1 =	sshrl.u32 s1, $0x2  }
0x31: {  	s3 =	sand.u32 $0x4000, s31;
	s1 =	sadd.s32 s1, s30  }
0x32: {  	s0 =	sor.u32 s3, s0;
	s1 =	sshll.u32 s1, $0x11  }
0x33: {  	s0 =	sor.u32 s1, s0  }
0x34: {  	s0 =	sadd.s32 $0x8F2B, s0  }
0x35: {  	[sflag:s0] =	ssyncadd.remote.s32 $0x1  }
0x36: {  	_ =	sfence.sel $0xFFFF  }
0x37: {  	[dreg:$0x0] =	wrdreg $0xFFFFFFFF;
	(pc) =	sbr.abs _section_cstart, $3  }
0x38: {  	[dreg:$0x1] =	wrdreg $0xFFFFFFFF  }
0x39: {  	_ =	task.clear_ibuf [dreg:s7], $0x2FFFF;
	_ =	strace $0x9FFFFFFF  }
0x3a: {  	(tm) =	ssettm $0x7FFFFFFF  }
0x3b: {  	_ =	shalt  }
tec
execute0_lowered:
.L_overlay_start_1:
0x0: {  	(tag) =	ssettag $0x1  }
0x1: {  	s1 =	srdreg.scid;
	s8 =	rddreg [dreg:$0x0]  }
0x2: {  	s0 =	stileid.u32;
	s2 =	rddreg [dreg:$0x1]  }
0x3: {  	s31 =	simm.s32 $0x2;
	s19 =	simm.s32 $0x0;
	s12 =	simm.s32 $0x1000  }
0x4: {  	s13 =	simm.s32 $0x0;
	s17 =	simm.s32 $0x0;
	s18 =	simm.s32 $0x0  }
0x5: {  	s16 =	simm.s32 $0x0;
	s1 =	sshll.u32 s1, $0x4;
	s4 =	sshll.u32 s0, $0x7  }
0x6: {  	s29 =	sshrl.u32 s0, $0x1;
	s8 =	sadd.s32 $0x498A00, s8;
	s3 =	sand.u32 $0x10, s1  }
0x7: {  	s1 =	rddreg [dreg:$0x2];
	s9 =	sor.u32 s0, s3;
	s3 =	sand.u32 $0x80, s4  }
0x8: {  	s4 =	sand.u32 $0x3, s29;
	s5 =	sshll.u32 s9, $0x4;
	s6 =	ssub.s32 $0x100, s3  }
0x9: {  	s30 =	ssub.s32 $0x184, s4;
	s5 =	sand.u32 $0x180, s5;
	s7 =	sshrl.u32 s6, $0x7  }
0xa: {  	s6 =	sshrl.u32 s6, $0x8;
	s7 =	sand.u32 $0x1, s7;
	s10 =	ssub.s32 $0x200, s5  }
0xb: {  	s6 =	sadd.s32 s6, s7;
	s11 =	sand.u32 $0x180, s10;
	s7 =	sshrl.u32 s30, $0x2  }
0xc: {  	p0 =	sne.s32 s11, $0x0;
	s11 =	simm.s32 $0x1;
	s7 =	smul.u32 s7, s6  }
.Ltmp0:
0xd: {  	s10 =	sshrl.u32 s10, $0x9;
	s11 =	simm.s32 @!p0 $0x0;
	(pc) =	sbr.rel .LBB1_1-.Ltmp0, $4  }
0xe: {  	_ =	strace $0x80000047;
	s9 =	sshll.u32 s9, $0x7;
	s10 =	sadd.s32 s11, s10  }
0xf: {  	s14 =	smov.u32 s4;
	s6 =	simm.s32 $0x1;
	s7 =	smul.u32 s10, s7  }
0x10: {  	s15 =	smov.u32 s3;
	s9 =	sand.u32 $0xC00, s9;
	[sflag:s6] =	ssyncpa.u1 $0x0  }
0x11: {  	[sflag:s31] =	ssyncpa.u1 $0x0;
	s11 =	simm.s32 $0x400;
	s10 =	sadd.s32 $0x1, s7  }
.LBB1_4:
0x12: {  	_ =	sdelay $0x3  }
0x13: {  	[tilespmem:v0+s22+$0xFFFFFFD0 ss:$0x1] =	vst.idx.msk $0xffff, v6  }
0x14: {  	v56 =	vld.idx.msk [tilespmem:v1+s21+$0x0 ss:$0x1], $0xffff;
	[tilespmem:v0+s22+$0xFFFFFFE0 ss:$0x1] =	vst.idx.msk $0xffff, v4  }
0x15: {  	v57 =	vld.idx.msk [tilespmem:v1+s21+$0xFFFFFF90 ss:$0x1], $0xffff;
	[tilespmem:v0+s22+$0xFFFFFFF0 ss:$0x1] =	vst.idx.msk $0xffff, v2  }
0x16: {  	v58 =	vld.idx.msk [tilespmem:v1+s21+$0xFFFFFFA0 ss:$0x1], $0xffff;
	[tilespmem:v0+s22+$0x0 ss:$0x1] =	vst.idx.msk $0xffff, v3  }
0x17: {  	v59 =	vld.idx.msk [tilespmem:v1+s21+$0xFFFFFFB0 ss:$0x1], $0xffff;
	[tilespmem:v0+s22+$0x10 ss:$0x1] =	vst.idx.msk $0xffff, v5  }
0x18: {  	v60 =	vld.idx.msk [tilespmem:v1+s21+$0xFFFFFFC0 ss:$0x1], $0xffff;
	[tilespmem:v0+s22+$0x20 ss:$0x1] =	vst.idx.msk $0xffff, v7  }
0x19: {  	v61 =	vld.idx.msk [tilespmem:v1+s21+$0xFFFFFFD0 ss:$0x1], $0xffff;
	[tilespmem:v0+s21+$0x30 ss:$0x1] =	vst.idx.msk $0xffff, v56  }
0x1a: {  	v62 =	vld.idx.msk [tilespmem:v1+s21+$0xFFFFFFE0 ss:$0x1], $0xffff;
	s29 =	sshll.u32 s18, $0x9;
	[tilespmem:v0+s21+$0xFFFFFFC0 ss:$0x1] =	vst.idx.msk $0xffff, v57  }
0x1b: {  	v63 =	vld.idx.msk [tilespmem:v1+s21+$0xFFFFFFF0 ss:$0x1], $0xffff;
	s19 =	sshll.u32 s19, $0x3;
	s23 =	sshll.u32 s18, $0x7;
	s22 =	sand.u32 $0x1F000, s29;
	[tilespmem:v0+s21+$0xFFFFFFD0 ss:$0x1] =	vst.idx.msk $0xffff, v58  }
0x1c: {  	s30 =	sand.u32 $0x200, s23;
	s19 =	sor.u32 s22, s19;
	[tilespmem:v0+s21+$0xFFFFFFE0 ss:$0x1] =	vst.idx.msk $0xffff, v59  }
0x1d: {  	s17 =	sshll.u32 s17, $0xE;
	s31 =	sshll.u32 s18, $0x4;
	s19 =	sor.u32 s30, s19;
	[tilespmem:v0+s21+$0xFFFFFFF0 ss:$0x1] =	vst.idx.msk $0xffff, v60  }
0x1e: {  	s18 =	sand.u32 $0x30, s31;
	s17 =	sadd.s32 s2, s17;
	s19 =	sshrl.u32 s19, $0x3;
	[tilespmem:v0+s21+$0x0 ss:$0x1] =	vst.idx.msk $0xffff, v61  }
0x1f: {  	s17 =	sadd.s32 s18, s17;
	[tilespmem:v0+s21+$0x10 ss:$0x1] =	vst.idx.msk $0xffff, v62;
	s19 =	sand.u32 $0x3FC0, s19  }
0x20: {  	[tilespmem:v0+s21+$0x20 ss:$0x1] =	vst.idx.msk $0xffff, v63;
	s17 =	sadd.s32 s19, s17  }
0x21: {  	[hbm4b:s17+s11] =	stream.strided.scatter [tilespmem:s20], [sflag:$0x2], $0x4000, s12, s11, $0x38;
	[tilespmem:$0x10000] =	vst v63  }
.LBB1_5:
0x22: {  	s20 =	sadd.s32 $0x4, s14  }
0x23: {  	s17 =	sadd.s32 $0x100, s15;
	s21 =	smov.u32 s15;
	p1 =	sgt.s32 s20, $0x180  }
0x24: {  	s21 =	smov.u32 @p1 s17  }
0x25: {  	s20 =	smov.u32 @p1 s4;
	p1 =	sgt.s32 s21, $0xFF  }
0x26: {  	s21 =	smov.u32 @p1 s3;
	p1 =	sne.s32 s16, s10  }
.Ltmp1:
0x27: {  	p0 =	slt.u32 s16, $0x2;
	(pc) =	sbr.rel @!p1 .LBB1_6-.Ltmp1, $4  }
0x28: {  	s18 =	smov.u32 s15;
	s19 =	simm.s32 @!p0 $0x2  }
0x29: {  	s13 =	sadd.s32 $0x4000, s13;
	_ =	swait.ge @!p0 [sflag:s19], $0x4000;
	s17 =	smov.u32 s14  }
0x2a: {  	[sflag:s19] =	ssyncset.done @!p0 $0x0;
	s14 =	smov.u32 s20;
	s16 =	sadd.s32 $0x1, s16  }
0x2b: {  	[sflag:s19] =	ssyncadd.s32 @!p0 $0xFFFFC000;
	s19 =	smov.u32 s5;
	s15 =	smov.u32 s21  }
.LBB1_1:
0x2c: {  	p0 =	sge.u32 s16, s7  }
0x2d: {  	s20 =	sshll.u32 @!p0 s14, $0x9  }
0x2e: {  	s21 =	sshll.u32 @!p0 s14, $0x7;
	s20 =	sand.u32 @!p0 $0xFFFFF000, s20  }
0x2f: {  	s21 =	sand.u32 @!p0 $0x200, s21;
	s20 =	sor.u32 @!p0 s9, s20  }
0x30: {  	s20 =	sor.u32 @!p0 s21, s20  }
0x31: {  	s20 =	sshrl.u32 @!p0 s20, $0x9  }
0x32: {  	s21 =	smulhi.u32 @!p0 $0xA72F06, s20;
	_ =	sdelay $0x1  }
0x33: {  	s21 =	smul.u32 @!p0 $0x188, s21  }
0x34: {  	s31 =	sadd.s32 $0xFFFFFFFF, s16;
	s22 =	smul.u32 @!p0 $0x6200, s15  }
0x35: {  	s23 =	sxor.u32 @!p0 $0xFFFFFFFF, s16;
	s20 =	ssub.s32 @!p0 s20, s21;
	s21 =	sshll.u32 @!p0 s14, $0x4  }
0x36: {  	s23 =	sshll.u32 @!p0 s23, $0xE;
	s22 =	sadd.s32 @!p0 s8, s22;
	s21 =	sand.u32 @!p0 $0x30, s21  }
0x37: {  	s23 =	sand.u32 @!p0 $0x4000, s23;
	s20 =	sshll.u32 @!p0 s20, $0x6;
	s21 =	sadd.s32 @!p0 s21, s22  }
0x38: {  	s22 =	simm.s32 @!p0 $0x31000;
	s20 =	sadd.s32 @!p0 s20, s21;
	s21 =	simm.s32 @!p0 $0x80  }
0x39: {  	[tilespmem:s23], [sflag:$0x1] =	stream.strided.gather @!p0 [hbm4b:s20+s21], $0x4000, s22, s21, $0x38;
	[tilespmem:$0x10000] =	vst v63  }
0x3a: {  	p0 =	sge.u32 s31, s7  }
.Ltmp2:
0x3b: {  	_ = 	snop;
	(pc) =	sbr.rel @p0 .LBB1_5-.Ltmp2, $1  }
0x3c: {  	_ =	sdelay $0x3  }
0x3d: {  	s20 =	sand.u32 $0x4000, s13  }
0x3e: {  	s21 =	sor.u32 $0x70, s20  }
0x3f: {  	v1 =	vmov s21;
	_ =	sdelay $0x1  }
0x40: {  	_ =	swait.ge [sflag:s6], $0x4000  }
0x41: {  	[sflag:s6] =	ssyncset.done $0x0  }
0x42: {  	s22 =	simm.s32 $0x0;
	[sflag:s6] =	ssyncadd.s32 $0xFFFFC000  }
0x43: {  	s20 =	sor.u32 $0x8040, s20;
	v7 =	vld.idx.msk [tilespmem:v1+s22+$0x0 ss:$0x1], $0xffff  }
0x44: {  	v0 =	vmov s20;
	v8 =	vld.idx.msk [tilespmem:v1+s22+$0xFFFFFF90 ss:$0x1], $0xffff  }
0x45: {  	v6 =	vld.idx.msk [tilespmem:v1+s22+$0xFFFFFFA0 ss:$0x1], $0xffff  }
0x46: {  	v4 =	vld.idx.msk [tilespmem:v1+s22+$0xFFFFFFB0 ss:$0x1], $0xffff  }
0x47: {  	v2 =	vld.idx.msk [tilespmem:v1+s22+$0xFFFFFFC0 ss:$0x1], $0xffff  }
0x48: {  	s31 =	sshll.u32 s16, $0xE;
	v3 =	vld.idx.msk [tilespmem:v1+s22+$0xFFFFFFD0 ss:$0x1], $0xffff  }
0x49: {  	s20 =	sand.u32 $0x4000, s31;
	v5 =	vld.idx.msk [tilespmem:v1+s22+$0xFFFFFFE0 ss:$0x1], $0xffff;
	[tilespmem:v0+s22+$0x30 ss:$0x1] =	vst.idx.msk $0xffff, v7  }
0x4a: {  	s23 =	simm.s32 $0x400;
	s21 =	simm.s32 $0x80;
	s20 =	sor.u32 $0x8000, s20;
	[tilespmem:v0+s22+$0xFFFFFFC0 ss:$0x1] =	vst.idx.msk $0xffff, v8;
	v7 =	vld.idx.msk [tilespmem:v1+s22+$0xFFFFFFF0 ss:$0x1], $0xffff  }
.LBB1_3:
0x4b: {  	p0 =	sne.s32 s23, $0xFE00;
	v8 =	vld.idx.msk [tilespmem:v1+s21+$0x0 ss:$0x1], $0xffff;
	[tilespmem:v0+s22+$0xFFFFFFD0 ss:$0x1] =	vst.idx.msk $0xffff, v6  }
0x4c: {  	v9 =	vld.idx.msk [tilespmem:v1+s21+$0xFFFFFF90 ss:$0x1], $0xffff;
	[tilespmem:v0+s22+$0xFFFFFFE0 ss:$0x1] =	vst.idx.msk $0xffff, v4  }
0x4d: {  	v6 =	vld.idx.msk [tilespmem:v1+s21+$0xFFFFFFA0 ss:$0x1], $0xffff;
	[tilespmem:v0+s22+$0xFFFFFFF0 ss:$0x1] =	vst.idx.msk $0xffff, v2  }
.Ltmp3:
0x4e: {  	v4 =	vld.idx.msk [tilespmem:v1+s21+$0xFFFFFFB0 ss:$0x1], $0xffff;
	[tilespmem:v0+s22+$0x0 ss:$0x1] =	vst.idx.msk $0xffff, v3;
	(pc) =	sbr.rel @p0 .LBB1_3-.Ltmp3, $4  }
0x4f: {  	v2 =	vld.idx.msk [tilespmem:v1+s21+$0xFFFFFFC0 ss:$0x1], $0xffff;
	[tilespmem:v0+s22+$0x10 ss:$0x1] =	vst.idx.msk $0xffff, v5  }
0x50: {  	v3 =	vld.idx.msk [tilespmem:v1+s21+$0xFFFFFFD0 ss:$0x1], $0xffff;
	[tilespmem:v0+s22+$0x20 ss:$0x1] =	vst.idx.msk $0xffff, v7;
	s22 =	smov.u32 s21  }
0x51: {  	v5 =	vld.idx.msk [tilespmem:v1+s22+$0xFFFFFFE0 ss:$0x1], $0xffff;
	[tilespmem:v0+s22+$0x30 ss:$0x1] =	vst.idx.msk $0xffff, v8  }
0x52: {  	s21 =	sshra.s32 s23, $0x2;
	s23 =	sadd.s32 $0x200, s23;
	[tilespmem:v0+s22+$0xFFFFFFC0 ss:$0x1] =	vst.idx.msk $0xffff, v9;
	v7 =	vld.idx.msk [tilespmem:v1+s22+$0xFFFFFFF0 ss:$0x1], $0xffff  }
.Ltmp4:
0x53: {  	_ = 	snop;
	(pc) =	sbr.rel .LBB1_4-.Ltmp4, $1  }
0x54: {  	_ =	sdelay $0x3  }
.LBB1_6:
0x55: {  	_ =	sfence.sel $0x180000  }
0x56: {  	s2 =	simm.s32 $0x1;
	[bflag:$0x0] =	sbarrier.arrive $0xFFFF  }
0x57: {  	s31 =	simm.s32 $0x2;
	[sflag:s2] =	ssyncpa.u1 $0x1  }
0x58: {  	[sflag:s31] =	ssyncpa.u1 $0x1  }
0x59: {  	p0 =	sne.s32 s0, $0x0;
	_ =	strace $0x90000047  }
0x5a: {  	s0 =	sadd.s32 @!p0 $0x100000, s1;
	[bflag:$0x2] =	sbarrier.arrive $0xFFFF  }
0x5b: {  	[sflag:s0] =	ssyncadd.tile.s32 @!p0 $0x1;
	_ =	shalt  }
.Lfunc_end1:
_tile_overlayer_lowered:
.L_overlay_start_2:
0x5c: {  	(tag) =	ssettag $0x2  }
0x5d: {  	s0 =	rddreg [dreg:$0x0];
	s2 =	stileid.u32  }
0x5e: {  	s1 =	rddreg [dreg:$0x1];
	p0 =	sne.s32 s2, $0x0  }
0x5f: {  	s3 =	rddreg [dreg:$0x2];
	[bflag:$0x3] =	sbarrier.arrive $0xFFFF;
	s2 =	simm.s32 @!p0 $0x1C01  }
0x60: {  	[timem:s3], [sflag:s2] =	dma.local @!p0 [hbm:s0], s1  }
0x61: {  	s0 =	simm.s32 @!p0 $0x1  }
0x62: {  	_ =	swait.ge @!p0 [sflag:s0], s1  }
0x63: {  	s1 =	ssub.s32 @!p0 $0x0, s1;
	[sflag:s0] =	ssyncset.done @!p0 $0x0  }
0x64: {  	[sflag:s0] =	ssyncadd.s32 @!p0 s1  }
0x65: {  	[bflag:$0x3] =	sbarrier.arrive $0xFFFF  }
0x66: {  	_ =	shalt  }

</sc_bundles>
